<compile_context>
chip_gen: v7x
topology: tpu7x:2x2x1
jax: 0.10.2.dev20260603
libtpu: 0.0.44.dev20260713+nightly
codegen_flags: <defaults>
</compile_context>

<pallas_src>
import functools

import jax
import jax.numpy as jnp
from jax import lax
from jax.experimental import pallas as pl
from jax.experimental.pallas import tpu as pltpu
from jax.experimental.pallas import tpu_sc as plsc

N = 16384
M = 4096
K = 16
C_IN = 256
C_OUT = 512
_BIG_I32 = 2 ** 30


def _dist3_fps(dx, dy, dz):
    return (dx * dx + dz * dz) + dy * dy


def _dist3_knn(dx, dy, dz):
    return (dx * dx + dy * dy) + dz * dz



def _red2(a, op):
    return op(op(a, axis=0, keepdims=True), axis=1, keepdims=True)


def _bc(a, shape):
    return lax.broadcast_in_dim(a, shape, (0, 1))


def _fps_body(px_ref, py_ref, pz_ref, px1_ref, py1_ref, pz1_ref,
              idx_ref, spx_ref, spy_ref, spz_ref, dists_ref):
    lin_m = (lax.broadcasted_iota(jnp.int32, (32, 128), 0) * 128
             + lax.broadcasted_iota(jnp.int32, (32, 128), 1))
    idx_ref[...] = jnp.zeros((32, 128), jnp.int32)
    m0_m = lin_m == 0
    spx_ref[...] = jnp.where(m0_m, px_ref[0, 0], 0.0)
    spy_ref[...] = jnp.where(m0_m, py_ref[0, 0], 0.0)
    spz_ref[...] = jnp.where(m0_m, pz_ref[0, 0], 0.0)
    dists_ref[...] = jnp.full((128, 128), jnp.inf, jnp.float32)

    def b128(v):
        return lax.broadcast_in_dim(v, (128, 128), (0, 1))

    def b32(v):
        return lax.broadcast_in_dim(v, (32, 128), (0, 1))

    def body(i, carry):
        cx, cy, cz = carry
        d = _dist3_fps(px_ref[...] - lax.broadcast_in_dim(cx, (128, 128), (0, 1)),
                       py_ref[...] - lax.broadcast_in_dim(cy, (128, 128), (0, 1)),
                       pz_ref[...] - lax.broadcast_in_dim(cz, (128, 128), (0, 1)))
        dists_ref[...] = jnp.minimum(dists_ref[...], d)
        dn = dists_ref[...]
        mx = _red2(dn, jnp.max)
        lin_f = (lax.broadcasted_iota(jnp.int32, (128, 128), 0) * 128
                 + lax.broadcasted_iota(jnp.int32, (128, 128), 1)).astype(jnp.float32)
        cand = jnp.where(dn == _bc(mx, (128, 128)), lin_f, jnp.float32(3e7))
        win = _red2(cand, jnp.min)[0, 0].astype(jnp.int32)
        nx = px1_ref[pl.ds(win, 1), :]
        ny = py1_ref[pl.ds(win, 1), :]
        nz = pz1_ref[pl.ds(win, 1), :]
        sel = lin_m == i
        idx_ref[...] = jnp.where(sel, win, idx_ref[...])
        spx_ref[...] = jnp.where(sel, lax.broadcast_in_dim(nx, (32, 128), (0, 1)),
                                 spx_ref[...])
        spy_ref[...] = jnp.where(sel, lax.broadcast_in_dim(ny, (32, 128), (0, 1)),
                                 spy_ref[...])
        spz_ref[...] = jnp.where(sel, lax.broadcast_in_dim(nz, (32, 128), (0, 1)),
                                 spz_ref[...])
        return (nx, ny, nz)

    c0 = (px1_ref[0:1, :], py1_ref[0:1, :], pz1_ref[0:1, :])
    lax.fori_loop(1, M, body, c0)


def _fps(px, py, pz):
    out = pl.pallas_call(
        _fps_body,
        out_shape=[
            jax.ShapeDtypeStruct((32, 128), jnp.int32),
            jax.ShapeDtypeStruct((32, 128), jnp.float32),
            jax.ShapeDtypeStruct((32, 128), jnp.float32),
            jax.ShapeDtypeStruct((32, 128), jnp.float32),
        ],
        scratch_shapes=[pltpu.VMEM((128, 128), jnp.float32)],
    )(px, py, pz,
      jnp.broadcast_to(px.reshape(N, 1), (N, 128)),
      jnp.broadcast_to(py.reshape(N, 1), (N, 128)),
      jnp.broadcast_to(pz.reshape(N, 1), (N, 128)))
    return out



def _mm_body(x_ref, wt_ref, b_ref, y_ref, ps_ref, pq_ref):
    y = jnp.dot(x_ref[...].astype(jnp.bfloat16), wt_ref[...].astype(jnp.bfloat16),
                preferred_element_type=jnp.float32) + b_ref[...]
    y_ref[...] = y
    ps_ref[...] = jnp.sum(y, axis=0, keepdims=True)[None]
    pq_ref[...] = jnp.sum(y * y, axis=0, keepdims=True)[None]


def _mm(x, wt, b2):
    nblk = 8
    rb = N // nblk
    return pl.pallas_call(
        _mm_body,
        grid=(nblk,),
        in_specs=[
            pl.BlockSpec((rb, C_IN), lambda i: (i, 0)),
            pl.BlockSpec((C_IN, C_OUT), lambda i: (0, 0)),
            pl.BlockSpec((1, C_OUT), lambda i: (0, 0)),
        ],
        out_specs=[
            pl.BlockSpec((rb, C_OUT), lambda i: (i, 0)),
            pl.BlockSpec((1, 1, C_OUT), lambda i: (i, 0, 0)),
            pl.BlockSpec((1, 1, C_OUT), lambda i: (i, 0, 0)),
        ],
        out_shape=[
            jax.ShapeDtypeStruct((N, C_OUT), jnp.float32),
            jax.ShapeDtypeStruct((nblk, 1, C_OUT), jnp.float32),
            jax.ShapeDtypeStruct((nblk, 1, C_OUT), jnp.float32),
        ],
    )(x, wt, b2)



_QB = 256
_CH = 2048


def _knn_body(qx_ref, qy_ref, qz_ref, px_ref, py_ref, pz_ref, nbr_ref, d_ref):
    nch = N // _CH
    qx = qx_ref[...][:, 0:1]
    qy = qy_ref[...][:, 0:1]
    qz = qz_ref[...][:, 0:1]
    for c in range(nch):
        sl = pl.ds(c * _CH, _CH)
        pxc = px_ref[0:1, sl]
        pyc = py_ref[0:1, sl]
        pzc = pz_ref[0:1, sl]
        d_ref[:, sl] = _dist3_knn(qx - pxc, qy - pyc, qz - pzc)

    col16 = lax.broadcasted_iota(jnp.int32, (_QB, K), 1)

    def pass_body(k, acc):
        m = jnp.full((_QB, 1), jnp.inf, jnp.float32)
        for c in range(nch):
            sl = pl.ds(c * _CH, _CH)
            m = jnp.minimum(m, jnp.min(d_ref[:, sl], axis=1, keepdims=True))
        win = jnp.full((_QB, 1), 3e7, jnp.float32)
        for c in range(nch):
            sl = pl.ds(c * _CH, _CH)
            ii = (lax.broadcasted_iota(jnp.int32, (_QB, _CH), 1)
                  + c * _CH).astype(jnp.float32)
            win = jnp.minimum(win, jnp.min(
                jnp.where(d_ref[:, sl] == m, ii, jnp.float32(3e7)),
                axis=1, keepdims=True))
        for c in range(nch):
            sl = pl.ds(c * _CH, _CH)
            ii = (lax.broadcasted_iota(jnp.int32, (_QB, _CH), 1)
                  + c * _CH).astype(jnp.float32)
            d_ref[:, sl] = jnp.where(ii == win, jnp.inf, d_ref[:, sl])
        return jnp.where(col16 == k, win.astype(jnp.int32), acc)

    nbr_ref[...] = lax.fori_loop(0, K, pass_body, jnp.zeros((_QB, K), jnp.int32))


def _knn(qxb, qyb, qzb, pxl, pyl, pzl):
    m_loc = qxb.shape[0]
    nblk = m_loc // _QB
    return pl.pallas_call(
        _knn_body,
        grid=(nblk,),
        in_specs=[
            pl.BlockSpec((_QB, 128), lambda i: (i, 0)),
            pl.BlockSpec((_QB, 128), lambda i: (i, 0)),
            pl.BlockSpec((_QB, 128), lambda i: (i, 0)),
            pl.BlockSpec((1, N), lambda i: (0, 0)),
            pl.BlockSpec((1, N), lambda i: (0, 0)),
            pl.BlockSpec((1, N), lambda i: (0, 0)),
        ],
        out_specs=pl.BlockSpec((_QB, K), lambda i: (i, 0)),
        out_shape=jax.ShapeDtypeStruct((m_loc, K), jnp.int32),
        scratch_shapes=[pltpu.VMEM((_QB, N), jnp.float32)],
    )(qxb, qyb, qzb, pxl, pyl, pzl)



_NW = 32
_QPW = M // _NW
_CKQ = 4


def _scgm_body(qpw, y_hbm, nbrf_hbm, s_hbm, t_hbm, out_hbm,
               idx_v, rows0, rows1, out_v, s_v, t_v, sem0, sem1):
    wid = lax.axis_index("s") * 2 + lax.axis_index("c")
    qbase = wid * qpw
    pltpu.sync_copy(nbrf_hbm.at[pl.ds(qbase * K, qpw * K)], idx_v)
    pltpu.sync_copy(s_hbm, s_v)
    pltpu.sync_copy(t_hbm, t_v)
    nch = qpw // _CKQ

    def cp(c, rows, sem):
        return pltpu.make_async_copy(
            y_hbm.at[idx_v.at[pl.ds(c * _CKQ * K, _CKQ * K)]], rows, sem)

    def compute(c, rows):
        @pl.loop(0, _CKQ)
        def _query(q):
            @pl.loop(0, C_OUT, step=16)
            def _col(j):
                def rmax(r, acc):
                    return jnp.maximum(acc, rows[q * K + r, pl.ds(j, 16)])
                acc = lax.fori_loop(1, K, rmax, rows[q * K, pl.ds(j, 16)])
                acc = jnp.maximum(acc * s_v[pl.ds(j, 16)] + t_v[pl.ds(j, 16)], 0.0)
                out_v[q, pl.ds(j, 16)] = acc

        pltpu.sync_copy(out_v, out_hbm.at[pl.ds(qbase + c * _CKQ, _CKQ)])

    cp(0, rows0, sem0).start()

    @pl.loop(0, nch - 2, step=2)
    def _pair(c):
        cp(c + 1, rows1, sem1).start()
        cp(c, rows0, sem0).wait()
        compute(c, rows0)
        cp(c + 2, rows0, sem0).start()
        cp(c + 1, rows1, sem1).wait()
        compute(c + 1, rows1)

    cp(nch - 1, rows1, sem1).start()
    cp(nch - 2, rows0, sem0).wait()
    compute(nch - 2, rows0)
    cp(nch - 1, rows1, sem1).wait()
    compute(nch - 1, rows1)


def _scgm(y, nbr_flat, s, t):
    m_loc = nbr_flat.shape[0] // K
    qpw = m_loc // _NW
    mesh = plsc.VectorSubcoreMesh(core_axis_name="c", subcore_axis_name="s")
    f = pl.kernel(
        functools.partial(_scgm_body, qpw),
        out_type=jax.ShapeDtypeStruct((m_loc, C_OUT), jnp.float32),
        mesh=mesh,
        scratch_types=[
            pltpu.VMEM((qpw * K,), jnp.int32),
            pltpu.VMEM((_CKQ * K, C_OUT), jnp.float32),
            pltpu.VMEM((_CKQ * K, C_OUT), jnp.float32),
            pltpu.VMEM((_CKQ, C_OUT), jnp.float32),
            pltpu.VMEM((C_OUT,), jnp.float32),
            pltpu.VMEM((C_OUT,), jnp.float32),
            pltpu.SemaphoreType.DMA,
            pltpu.SemaphoreType.DMA,
        ],
    )
    return f(y, nbr_flat, s, t)



def _pipeline(nd, x, pos, batch, W, b, gamma, beta):
    posT = pos.T
    px = posT[0].reshape(128, 128)
    py = posT[1].reshape(128, 128)
    pz = posT[2].reshape(128, 128)

    idx_m, spx, spy, spz = _fps(px, py, pz)
    idx = idx_m.reshape(M)
    sub_pos = jnp.stack([spx.reshape(M), spy.reshape(M), spz.reshape(M)], axis=1)
    sub_batch = jnp.take(batch, idx)

    y, ps, pq = _mm(x, W.T, b.reshape(1, C_OUT))
    ssum = ps.reshape(8, C_OUT).sum(axis=0)
    ssq = pq.reshape(8, C_OUT).sum(axis=0)
    mean = ssum * (1.0 / N)
    var = ssq * (1.0 / N) - mean * mean
    s = gamma * lax.rsqrt(var + 1e-5)
    t = beta - mean * s

    mloc = M // nd
    if nd > 1:
        base = lax.axis_index("d") * mloc
    else:
        base = 0
    spx_l = lax.dynamic_slice_in_dim(spx.reshape(M), base, mloc)
    spy_l = lax.dynamic_slice_in_dim(spy.reshape(M), base, mloc)
    spz_l = lax.dynamic_slice_in_dim(spz.reshape(M), base, mloc)
    qxb = jnp.broadcast_to(spx_l.reshape(mloc, 1), (mloc, 128))
    qyb = jnp.broadcast_to(spy_l.reshape(mloc, 1), (mloc, 128))
    qzb = jnp.broadcast_to(spz_l.reshape(mloc, 1), (mloc, 128))
    nbr = _knn(qxb, qyb, qzb,
               posT[0].reshape(1, N), posT[1].reshape(1, N), posT[2].reshape(1, N))

    x_out = _scgm(y, nbr.reshape(mloc * K), s, t)
    return (x_out, sub_pos, sub_batch)


def kernel(x, pos, batch, W, b, gamma, beta):
    devs = jax.devices()
    if len(devs) >= 2:
        from jax.sharding import Mesh, PartitionSpec as P
        mesh = Mesh(devs[:2], ("d",))
        f = jax.shard_map(
            functools.partial(_pipeline, 2), mesh=mesh,
            in_specs=(P(), P(), P(), P(), P(), P(), P()),
            out_specs=(P("d"), P(), P()),
            check_vma=False,
        )
        return f(x, pos, batch, W, b, gamma, beta)
    return _pipeline(1, x, pos, batch, W, b, gamma, beta)

# --- scband reference (transcript-rebuilt; emitter-appended) ---
"""Pipeline reference for scband-transition-down-2241972928924 (READ-ONLY COPY).

The authoritative reference and input builder live on the scoring server;
editing this copy changes nothing except your own understanding.
"""

import jax, jax.numpy as jnp
import numpy as np
import math

N = 16384
C_IN = 256
C_OUT = 512
RATIO = 0.25
K = 16


def setup_inputs(seed: int = 0) -> dict:
    key = jax.random.key(seed)
    k1, k2, k3 = jax.random.split(key, 3)
    x = jax.random.normal(k1, (N, C_IN), dtype=jnp.float32)
    pos = jax.random.uniform(k2, (N, 3), dtype=jnp.float32)
    batch = jnp.zeros((N,), dtype=jnp.int32)  # single point cloud
    W = jax.random.normal(k3, (C_OUT, C_IN), dtype=jnp.float32) * (1.0 / math.sqrt(C_IN))
    b = jnp.zeros((C_OUT,), dtype=jnp.float32)
    gamma = jnp.ones((C_OUT,), dtype=jnp.float32)
    beta = jnp.zeros((C_OUT,), dtype=jnp.float32)
    return {"x": x, "pos": pos, "batch": batch, "W": W, "b": b, "gamma": gamma, "beta": beta}


def fps(pos, ratio):
    # farthest point sampling, deterministic start at index 0
    n = pos.shape[0]
    m = int(math.ceil(ratio * n))
    dists = jnp.full((n,), jnp.inf, dtype=pos.dtype)
    idxs = jnp.zeros((m,), dtype=jnp.int32)

    def body(i, carry):
        dists, idxs = carry
        last = pos[idxs[i - 1]]
        d = jnp.sum((pos - last) ** 2, axis=1)
        dists = jnp.minimum(dists, d)
        idxs = idxs.at[i].set(jnp.argmax(dists).astype(jnp.int32))
        return (dists, idxs)

    _, idxs = jax.lax.fori_loop(1, m, body, (dists, idxs))
    return idxs


def knn_idx(pos, query_pos, k):
    # pairwise squared distances [M, N], top-k nearest per query
    d = jnp.sum((query_pos[:, None, :] - pos[None, :, :]) ** 2, axis=-1)
    _, idx = jax.lax.top_k(-d, k)
    return idx  # [M, k]


def mlp(x, W, b, gamma, beta):
    # Linear -> BatchNorm (training-mode batch stats) -> ReLU (plain_last=False)
    y = x @ W.T + b
    mean = jnp.mean(y, axis=0)
    var = jnp.var(y, axis=0)
    y = (y - mean) / jnp.sqrt(var + 1e-5) * gamma + beta
    return jax.nn.relu(y)


def reference(x, pos, batch, W, b, gamma, beta):
    id_clusters = fps(pos, RATIO)                 # [M]
    sub_batch = batch[id_clusters]                # [M]
    nbr = knn_idx(pos, pos[id_clusters], K)       # [M, K], knn over full cloud (single batch)
    h = mlp(x, W, b, gamma, beta)                 # [N, C_OUT]
    # scatter-max over exactly K neighbors per cluster == gather + max over axis 1
    x_out = jnp.max(h[nbr], axis=1)               # [M, C_OUT]
    sub_pos = pos[id_clusters]                    # [M, 3]
    return (x_out, sub_pos, sub_batch)

if __name__ == "__main__":
    import jax
    _d = setup_inputs()
    print(jax.jit(kernel)(*tuple(_d.values())))

</pallas_src>

<mosaic_0001>
#map = affine_map<(d0, d1) -> (0, 0)>
#map1 = affine_map<(d0, d1) -> (0)>
module attributes {stable_mosaic.version = 14 : i64} {
  func.func @_scgm_body(%arg0: i32, %arg1: i32, %arg2: memref<16384x512xf32, #tpu.memory_space<hbm>>, %arg3: memref<65536xi32, #tpu.memory_space<hbm>>, %arg4: memref<512xf32, #tpu.memory_space<hbm>>, %arg5: memref<512xf32, #tpu.memory_space<hbm>>, %arg6: memref<4096x512xf32, #tpu.memory_space<hbm>>, %arg7: memref<2048xi32, #tpu.memory_space<vmem>>, %arg8: memref<64x512xf32, #tpu.memory_space<vmem>>, %arg9: memref<64x512xf32, #tpu.memory_space<vmem>>, %arg10: memref<4x512xf32, #tpu.memory_space<vmem>>, %arg11: memref<512xf32, #tpu.memory_space<vmem>>, %arg12: memref<512xf32, #tpu.memory_space<vmem>>, %arg13: memref<!tpu.dma_semaphore, #tpu.memory_space<semaphore_mem>>, %arg14: memref<!tpu.dma_semaphore, #tpu.memory_space<semaphore_mem>>) attributes {dimension_semantics = [#tpu.dimension_semantics<core_parallel>, #tpu.dimension_semantics<subcore_parallel>], iteration_bounds = array<i64: 2, 16>, scalar_prefetch = 0 : i64, scratch_operands = 8 : i64, tpu.core_type = #tpu.core_type<sc_vector_subcore>, window_params = [{transform_indices = #map}, {transform_indices = #map1}, {transform_indices = #map1}, {transform_indices = #map1}, {transform_indices = #map}]} {
    %mul3A = arith.constant 2 : i32
    %mul3A_0 = arith.muli %arg1, %mul3A : i32
    %add3A = arith.addi %mul3A_0, %arg0 : i32
    %mul3A_1 = arith.constant 128 : i32
    %mul3A_2 = arith.muli %add3A, %mul3A_1 : i32
    %mul3A_3 = arith.constant 16 : i32
    %mul3A_4 = arith.muli %mul3A_2, %mul3A_3 : i32
    "tpu.region"() ({
      %run_scoped3A = tpu.sem_alloc : memref<!tpu.dma_semaphore, #tpu.memory_space<semaphore_mem>>
      %dma_start3A_41 = tpu.memref_slice %arg3[%mul3A_4] : memref<65536xi32, #tpu.memory_space<hbm>> -> memref<2048xi32, #tpu.memory_space<hbm>>
      %dma_start3A_42 = tpu.memref_slice %arg3[%mul3A_4] : memref<65536xi32, #tpu.memory_space<hbm>> -> memref<2048xi32, #tpu.memory_space<hbm>>
      tpu.enqueue_dma source(%dma_start3A_42 : memref<2048xi32, #tpu.memory_space<hbm>>) target(%arg7 : memref<2048xi32, #tpu.memory_space<vmem>>) target_semaphore(%run_scoped3A : memref<!tpu.dma_semaphore, #tpu.memory_space<semaphore_mem>>)
      %dma_wait3A_43 = tpu.memref_slice %arg3[%mul3A_4] : memref<65536xi32, #tpu.memory_space<hbm>> -> memref<2048xi32, #tpu.memory_space<hbm>>
      %dma_wait3A_44 = tpu.memref_slice %arg3[%mul3A_4] : memref<65536xi32, #tpu.memory_space<hbm>> -> memref<2048xi32, #tpu.memory_space<hbm>>
      tpu.wait_dma2 semaphore(%run_scoped3A : memref<!tpu.dma_semaphore, #tpu.memory_space<semaphore_mem>>) src(%dma_wait3A_44 : memref<2048xi32, #tpu.memory_space<hbm>>) dst(%arg7 : memref<2048xi32, #tpu.memory_space<vmem>>)
      tpu.yield
    }) : () -> ()
    "tpu.region"() ({
      %run_scoped3A = tpu.sem_alloc : memref<!tpu.dma_semaphore, #tpu.memory_space<semaphore_mem>>
      tpu.enqueue_dma source(%arg4 : memref<512xf32, #tpu.memory_space<hbm>>) target(%arg11 : memref<512xf32, #tpu.memory_space<vmem>>) target_semaphore(%run_scoped3A : memref<!tpu.dma_semaphore, #tpu.memory_space<semaphore_mem>>)
      tpu.wait_dma2 semaphore(%run_scoped3A : memref<!tpu.dma_semaphore, #tpu.memory_space<semaphore_mem>>) src(%arg4 : memref<512xf32, #tpu.memory_space<hbm>>) dst(%arg11 : memref<512xf32, #tpu.memory_space<vmem>>)
      tpu.yield
    }) : () -> ()
    "tpu.region"() ({
      %run_scoped3A = tpu.sem_alloc : memref<!tpu.dma_semaphore, #tpu.memory_space<semaphore_mem>>
      tpu.enqueue_dma source(%arg5 : memref<512xf32, #tpu.memory_space<hbm>>) target(%arg12 : memref<512xf32, #tpu.memory_space<vmem>>) target_semaphore(%run_scoped3A : memref<!tpu.dma_semaphore, #tpu.memory_space<semaphore_mem>>)
      tpu.wait_dma2 semaphore(%run_scoped3A : memref<!tpu.dma_semaphore, #tpu.memory_space<semaphore_mem>>) src(%arg5 : memref<512xf32, #tpu.memory_space<hbm>>) dst(%arg12 : memref<512xf32, #tpu.memory_space<vmem>>)
      tpu.yield
    }) : () -> ()
    %dma_start3A = arith.constant 0 : i32
    %dma_start3A_5 = tpu.memref_slice %arg7[%dma_start3A] : memref<2048xi32, #tpu.memory_space<vmem>> -> memref<64xi32, #tpu.memory_space<vmem>>
    %dma_start3A_6 = arith.constant 0 : i32
    %dma_start3A_7 = arith.constant 0 : i32
    %dma_start3A_8 = tpu.memref_slice %arg2[%dma_start3A_6, %dma_start3A_7] : memref<16384x512xf32, #tpu.memory_space<hbm>> -> memref<16384x512xf32, #tpu.memory_space<hbm>>
    tpu.enqueue_indirect_dma source(%dma_start3A_8 : memref<16384x512xf32, #tpu.memory_space<hbm>>) target(%arg8 : memref<64x512xf32, #tpu.memory_space<vmem>>) offsets(%dma_start3A_5 : memref<64xi32, #tpu.memory_space<vmem>>) semaphore(%arg13 : memref<!tpu.dma_semaphore, #tpu.memory_space<semaphore_mem>>)
    %scan3A = arith.constant 0 : i32
    %scan3A_9 = arith.constant 15 : i32
    %scan3A_10 = arith.addi %scan3A, %scan3A_9 : i32
    %scan3A_11 = arith.constant 1 : i32
    scf.for %scan3A_41 = %scan3A to %scan3A_10 step %scan3A_11  : i32 {
      %mul3A_42 = arith.constant 2 : i32
      %mul3A_43 = arith.muli %scan3A_41, %mul3A_42 : i32
      %add3A_44 = arith.constant 0 : i32
      %add3A_45 = arith.addi %add3A_44, %mul3A_43 : i32
      %add3A_46 = arith.constant 1 : i32
      %add3A_47 = arith.addi %add3A_45, %add3A_46 : i32
      %mul3A_48 = arith.constant 4 : i32
      %mul3A_49 = arith.muli %add3A_47, %mul3A_48 : i32
      %mul3A_50 = arith.constant 16 : i32
      %mul3A_51 = arith.muli %mul3A_49, %mul3A_50 : i32
      %dma_start3A_52 = tpu.memref_slice %arg7[%mul3A_51] : memref<2048xi32, #tpu.memory_space<vmem>> -> memref<64xi32, #tpu.memory_space<vmem>>
      %dma_start3A_53 = arith.constant 0 : i32
      %dma_start3A_54 = arith.constant 0 : i32
      %dma_start3A_55 = tpu.memref_slice %arg2[%dma_start3A_53, %dma_start3A_54] : memref<16384x512xf32, #tpu.memory_space<hbm>> -> memref<16384x512xf32, #tpu.memory_space<hbm>>
      tpu.enqueue_indirect_dma source(%dma_start3A_55 : memref<16384x512xf32, #tpu.memory_space<hbm>>) target(%arg9 : memref<64x512xf32, #tpu.memory_space<vmem>>) offsets(%dma_start3A_52 : memref<64xi32, #tpu.memory_space<vmem>>) semaphore(%arg14 : memref<!tpu.dma_semaphore, #tpu.memory_space<semaphore_mem>>)
      %mul3A_56 = arith.constant 4 : i32
      %mul3A_57 = arith.muli %add3A_45, %mul3A_56 : i32
      %mul3A_58 = arith.constant 16 : i32
      %mul3A_59 = arith.muli %mul3A_57, %mul3A_58 : i32
      %dma_wait3A_60 = tpu.memref_slice %arg7[%mul3A_59] : memref<2048xi32, #tpu.memory_space<vmem>> -> memref<64xi32, #tpu.memory_space<vmem>>
      %dma_wait3A_61 = arith.constant 0 : i32
      %dma_wait3A_62 = arith.constant 0 : i32
      %dma_wait3A_63 = tpu.memref_slice %arg2[%dma_wait3A_61, %dma_wait3A_62] : memref<16384x512xf32, #tpu.memory_space<hbm>> -> memref<16384x512xf32, #tpu.memory_space<hbm>>
      tpu.wait_indirect_dma semaphore(%arg13 : memref<!tpu.dma_semaphore, #tpu.memory_space<semaphore_mem>>) src(%dma_wait3A_63 : memref<16384x512xf32, #tpu.memory_space<hbm>>) dst(%arg8 : memref<64x512xf32, #tpu.memory_space<vmem>>)
      %scan3A_64 = arith.constant 0 : i32
      %scan3A_65 = arith.constant 4 : i32
      %scan3A_66 = arith.addi %scan3A_64, %scan3A_65 : i32
      %scan3A_67 = arith.constant 1 : i32
      scf.for %scan3A_102 = %scan3A_64 to %scan3A_66 step %scan3A_67  : i32 {
        %mul3A_103 = arith.constant 1 : i32
        %mul3A_104 = arith.muli %scan3A_102, %mul3A_103 : i32
        %add3A_105 = arith.constant 0 : i32
        %add3A_106 = arith.addi %add3A_105, %mul3A_104 : i32
        %scan3A_107 = arith.constant 0 : i32
        %scan3A_108 = arith.constant 32 : i32
        %scan3A_109 = arith.addi %scan3A_107, %scan3A_108 : i32
        %scan3A_110 = arith.constant 1 : i32
        scf.for %scan3A_112 = %scan3A_107 to %scan3A_109 step %scan3A_110  : i32 {
          %mul3A_113 = arith.constant 16 : i32
          %mul3A_114 = arith.muli %scan3A_112, %mul3A_113 : i32
          %add3A_115 = arith.constant 0 : i32
          %add3A_116 = arith.addi %add3A_115, %mul3A_114 : i32
          %mul3A_117 = arith.constant 16 : i32
          %mul3A_118 = arith.muli %add3A_106, %mul3A_117 : i32
          %get3A = arith.index_cast %mul3A_118 : i32 to index
          %get3A_119 = arith.index_cast %add3A_116 : i32 to index
          %get3A_120 = tpu.vector_load %arg8[%get3A, %get3A_119] {strides = array<i32>} : memref<64x512xf32, #tpu.memory_space<vmem>>, vector<1x16xf32>,
          %get3A_121 = vector.shape_cast %get3A_120 : vector<1x16xf32> to vector<16xf32>
          %scan3A_122 = arith.constant 1 : i32
          %scan3A_123 = arith.constant 15 : i32
          %scan3A_124 = arith.addi %scan3A_122, %scan3A_123 : i32
          %scan3A_125 = arith.constant 1 : i32
          %scan3A_126 = scf.for %scan3A_142 = %scan3A_122 to %scan3A_124 step %scan3A_125 iter_args(%scan3A_143 = %get3A_121) -> (vector<16xf32>)  : i32 {
            %mul3A_144 = arith.constant 16 : i32
            %mul3A_145 = arith.muli %add3A_106, %mul3A_144 : i32
            %add3A_146 = arith.addi %mul3A_145, %scan3A_142 : i32
            %get3A_147 = arith.index_cast %add3A_146 : i32 to index
            %get3A_148 = arith.index_cast %add3A_116 : i32 to index
            %get3A_149 = tpu.vector_load %arg8[%get3A_147, %get3A_148] {strides = array<i32>} : memref<64x512xf32, #tpu.memory_space<vmem>>, vector<1x16xf32>,
            %get3A_150 = vector.shape_cast %get3A_149 : vector<1x16xf32> to vector<16xf32>
            %max3A_151 = arith.maximumf %scan3A_143, %get3A_150 : vector<16xf32>
            scf.yield %max3A_151 : vector<16xf32>
          }
          %scan3A_127 = arith.constant 15 : i32
          %get3A_128 = arith.index_cast %add3A_116 : i32 to index
          %get3A_129 = tpu.vector_load %arg11[%get3A_128] {strides = array<i32>} : memref<512xf32, #tpu.memory_space<vmem>>, vector<16xf32>,
          %get3A_130 = vector.shape_cast %get3A_129 : vector<16xf32> to vector<16xf32>
          %mul3A_131 = arith.mulf %scan3A_126, %get3A_130 : vector<16xf32>
          %get3A_132 = arith.index_cast %add3A_116 : i32 to index
          %get3A_133 = tpu.vector_load %arg12[%get3A_132] {strides = array<i32>} : memref<512xf32, #tpu.memory_space<vmem>>, vector<16xf32>,
          %get3A_134 = vector.shape_cast %get3A_133 : vector<16xf32> to vector<16xf32>
          %add3A_135 = arith.addf %mul3A_131, %get3A_134 : vector<16xf32>
          %max3A = arith.constant 0.000000e+00 : f32
          %max3A_136 = vector.broadcast %max3A : f32 to vector<16xf32>
          %max3A_137 = arith.maximumf %add3A_135, %max3A_136 : vector<16xf32>
          %swap3A = arith.index_cast %add3A_106 : i32 to index
          %swap3A_138 = arith.index_cast %add3A_116 : i32 to index
          %swap3A_139 = tpu.vector_load %arg10[%swap3A, %swap3A_138] {strides = array<i32>} : memref<4x512xf32, #tpu.memory_space<vmem>>, vector<1x16xf32>,
          %swap3A_140 = vector.shape_cast %swap3A_139 : vector<1x16xf32> to vector<16xf32>
          %swap3A_141 = vector.shape_cast %max3A_137 : vector<16xf32> to vector<1x16xf32>
          tpu.vector_store %arg10[%swap3A, %swap3A_138], %swap3A_141 {strides = array<i32>} : memref<4x512xf32, #tpu.memory_space<vmem>>, vector<1x16xf32>,
        }
        %scan3A_111 = arith.constant 32 : i32
      }
      %scan3A_68 = arith.constant 4 : i32
      %mul3A_69 = arith.constant 4 : i32
      %mul3A_70 = arith.muli %add3A_45, %mul3A_69 : i32
      %add3A_71 = arith.addi %mul3A_2, %mul3A_70 : i32
      "tpu.region"() ({
        %run_scoped3A = tpu.sem_alloc : memref<!tpu.dma_semaphore, #tpu.memory_space<semaphore_mem>>
        %dma_start3A_102 = arith.constant 0 : i32
        %dma_start3A_103 = tpu.memref_slice %arg6[%add3A_71, %dma_start3A_102] : memref<4096x512xf32, #tpu.memory_space<hbm>> -> memref<4x512xf32, #tpu.memory_space<hbm>>
        %dma_start3A_104 = arith.constant 0 : i32
        %dma_start3A_105 = tpu.memref_slice %arg6[%add3A_71, %dma_start3A_104] : memref<4096x512xf32, #tpu.memory_space<hbm>> -> memref<4x512xf32, #tpu.memory_space<hbm>>
        tpu.enqueue_dma source(%arg10 : memref<4x512xf32, #tpu.memory_space<vmem>>) target(%dma_start3A_105 : memref<4x512xf32, #tpu.memory_space<hbm>>) target_semaphore(%run_scoped3A : memref<!tpu.dma_semaphore, #tpu.memory_space<semaphore_mem>>)
        %dma_wait3A_106 = arith.constant 0 : i32
        %dma_wait3A_107 = tpu.memref_slice %arg6[%add3A_71, %dma_wait3A_106] : memref<4096x512xf32, #tpu.memory_space<hbm>> -> memref<4x512xf32, #tpu.memory_space<hbm>>
        %dma_wait3A_108 = arith.constant 0 : i32
        %dma_wait3A_109 = tpu.memref_slice %arg6[%add3A_71, %dma_wait3A_108] : memref<4096x512xf32, #tpu.memory_space<hbm>> -> memref<4x512xf32, #tpu.memory_space<hbm>>
        tpu.wait_dma2 semaphore(%run_scoped3A : memref<!tpu.dma_semaphore, #tpu.memory_space<semaphore_mem>>) src(%arg10 : memref<4x512xf32, #tpu.memory_space<vmem>>) dst(%dma_wait3A_109 : memref<4x512xf32, #tpu.memory_space<hbm>>)
        tpu.yield
      }) : () -> ()
      %add3A_72 = arith.constant 2 : i32
      %add3A_73 = arith.addi %add3A_45, %add3A_72 : i32
      %mul3A_74 = arith.constant 4 : i32
      %mul3A_75 = arith.muli %add3A_73, %mul3A_74 : i32
      %mul3A_76 = arith.constant 16 : i32
      %mul3A_77 = arith.muli %mul3A_75, %mul3A_76 : i32
      %dma_start3A_78 = tpu.memref_slice %arg7[%mul3A_77] : memref<2048xi32, #tpu.memory_space<vmem>> -> memref<64xi32, #tpu.memory_space<vmem>>
      %dma_start3A_79 = arith.constant 0 : i32
      %dma_start3A_80 = arith.constant 0 : i32
      %dma_start3A_81 = tpu.memref_slice %arg2[%dma_start3A_79, %dma_start3A_80] : memref<16384x512xf32, #tpu.memory_space<hbm>> -> memref<16384x512xf32, #tpu.memory_space<hbm>>
      tpu.enqueue_indirect_dma source(%dma_start3A_81 : memref<16384x512xf32, #tpu.memory_space<hbm>>) target(%arg8 : memref<64x512xf32, #tpu.memory_space<vmem>>) offsets(%dma_start3A_78 : memref<64xi32, #tpu.memory_space<vmem>>) semaphore(%arg13 : memref<!tpu.dma_semaphore, #tpu.memory_space<semaphore_mem>>)
      %add3A_82 = arith.constant 1 : i32
      %add3A_83 = arith.addi %add3A_45, %add3A_82 : i32
      %mul3A_84 = arith.constant 4 : i32
      %mul3A_85 = arith.muli %add3A_83, %mul3A_84 : i32
      %mul3A_86 = arith.constant 16 : i32
      %mul3A_87 = arith.muli %mul3A_85, %mul3A_86 : i32
      %dma_wait3A_88 = tpu.memref_slice %arg7[%mul3A_87] : memref<2048xi32, #tpu.memory_space<vmem>> -> memref<64xi32, #tpu.memory_space<vmem>>
      %dma_wait3A_89 = arith.constant 0 : i32
      %dma_wait3A_90 = arith.constant 0 : i32
      %dma_wait3A_91 = tpu.memref_slice %arg2[%dma_wait3A_89, %dma_wait3A_90] : memref<16384x512xf32, #tpu.memory_space<hbm>> -> memref<16384x512xf32, #tpu.memory_space<hbm>>
      tpu.wait_indirect_dma semaphore(%arg14 : memref<!tpu.dma_semaphore, #tpu.memory_space<semaphore_mem>>) src(%dma_wait3A_91 : memref<16384x512xf32, #tpu.memory_space<hbm>>) dst(%arg9 : memref<64x512xf32, #tpu.memory_space<vmem>>)
      %add3A_92 = arith.constant 1 : i32
      %add3A_93 = arith.addi %add3A_45, %add3A_92 : i32
      %scan3A_94 = arith.constant 0 : i32
      %scan3A_95 = arith.constant 4 : i32
      %scan3A_96 = arith.addi %scan3A_94, %scan3A_95 : i32
      %scan3A_97 = arith.constant 1 : i32
      scf.for %scan3A_102 = %scan3A_94 to %scan3A_96 step %scan3A_97  : i32 {
        %mul3A_103 = arith.constant 1 : i32
        %mul3A_104 = arith.muli %scan3A_102, %mul3A_103 : i32
        %add3A_105 = arith.constant 0 : i32
        %add3A_106 = arith.addi %add3A_105, %mul3A_104 : i32
        %scan3A_107 = arith.constant 0 : i32
        %scan3A_108 = arith.constant 32 : i32
        %scan3A_109 = arith.addi %scan3A_107, %scan3A_108 : i32
        %scan3A_110 = arith.constant 1 : i32
        scf.for %scan3A_112 = %scan3A_107 to %scan3A_109 step %scan3A_110  : i32 {
          %mul3A_113 = arith.constant 16 : i32
          %mul3A_114 = arith.muli %scan3A_112, %mul3A_113 : i32
          %add3A_115 = arith.constant 0 : i32
          %add3A_116 = arith.addi %add3A_115, %mul3A_114 : i32
          %mul3A_117 = arith.constant 16 : i32
          %mul3A_118 = arith.muli %add3A_106, %mul3A_117 : i32
          %get3A = arith.index_cast %mul3A_118 : i32 to index
          %get3A_119 = arith.index_cast %add3A_116 : i32 to index
          %get3A_120 = tpu.vector_load %arg9[%get3A, %get3A_119] {strides = array<i32>} : memref<64x512xf32, #tpu.memory_space<vmem>>, vector<1x16xf32>,
          %get3A_121 = vector.shape_cast %get3A_120 : vector<1x16xf32> to vector<16xf32>
          %scan3A_122 = arith.constant 1 : i32
          %scan3A_123 = arith.constant 15 : i32
          %scan3A_124 = arith.addi %scan3A_122, %scan3A_123 : i32
          %scan3A_125 = arith.constant 1 : i32
          %scan3A_126 = scf.for %scan3A_142 = %scan3A_122 to %scan3A_124 step %scan3A_125 iter_args(%scan3A_143 = %get3A_121) -> (vector<16xf32>)  : i32 {
            %mul3A_144 = arith.constant 16 : i32
            %mul3A_145 = arith.muli %add3A_106, %mul3A_144 : i32
            %add3A_146 = arith.addi %mul3A_145, %scan3A_142 : i32
            %get3A_147 = arith.index_cast %add3A_146 : i32 to index
            %get3A_148 = arith.index_cast %add3A_116 : i32 to index
            %get3A_149 = tpu.vector_load %arg9[%get3A_147, %get3A_148] {strides = array<i32>} : memref<64x512xf32, #tpu.memory_space<vmem>>, vector<1x16xf32>,
            %get3A_150 = vector.shape_cast %get3A_149 : vector<1x16xf32> to vector<16xf32>
            %max3A_151 = arith.maximumf %scan3A_143, %get3A_150 : vector<16xf32>
            scf.yield %max3A_151 : vector<16xf32>
          }
          %scan3A_127 = arith.constant 15 : i32
          %get3A_128 = arith.index_cast %add3A_116 : i32 to index
          %get3A_129 = tpu.vector_load %arg11[%get3A_128] {strides = array<i32>} : memref<512xf32, #tpu.memory_space<vmem>>, vector<16xf32>,
          %get3A_130 = vector.shape_cast %get3A_129 : vector<16xf32> to vector<16xf32>
          %mul3A_131 = arith.mulf %scan3A_126, %get3A_130 : vector<16xf32>
          %get3A_132 = arith.index_cast %add3A_116 : i32 to index
          %get3A_133 = tpu.vector_load %arg12[%get3A_132] {strides = array<i32>} : memref<512xf32, #tpu.memory_space<vmem>>, vector<16xf32>,
          %get3A_134 = vector.shape_cast %get3A_133 : vector<16xf32> to vector<16xf32>
          %add3A_135 = arith.addf %mul3A_131, %get3A_134 : vector<16xf32>
          %max3A = arith.constant 0.000000e+00 : f32
          %max3A_136 = vector.broadcast %max3A : f32 to vector<16xf32>
          %max3A_137 = arith.maximumf %add3A_135, %max3A_136 : vector<16xf32>
          %swap3A = arith.index_cast %add3A_106 : i32 to index
          %swap3A_138 = arith.index_cast %add3A_116 : i32 to index
          %swap3A_139 = tpu.vector_load %arg10[%swap3A, %swap3A_138] {strides = array<i32>} : memref<4x512xf32, #tpu.memory_space<vmem>>, vector<1x16xf32>,
          %swap3A_140 = vector.shape_cast %swap3A_139 : vector<1x16xf32> to vector<16xf32>
          %swap3A_141 = vector.shape_cast %max3A_137 : vector<16xf32> to vector<1x16xf32>
          tpu.vector_store %arg10[%swap3A, %swap3A_138], %swap3A_141 {strides = array<i32>} : memref<4x512xf32, #tpu.memory_space<vmem>>, vector<1x16xf32>,
        }
        %scan3A_111 = arith.constant 32 : i32
      }
      %scan3A_98 = arith.constant 4 : i32
      %mul3A_99 = arith.constant 4 : i32
      %mul3A_100 = arith.muli %add3A_93, %mul3A_99 : i32
      %add3A_101 = arith.addi %mul3A_2, %mul3A_100 : i32
      "tpu.region"() ({
        %run_scoped3A = tpu.sem_alloc : memref<!tpu.dma_semaphore, #tpu.memory_space<semaphore_mem>>
        %dma_start3A_102 = arith.constant 0 : i32
        %dma_start3A_103 = tpu.memref_slice %arg6[%add3A_101, %dma_start3A_102] : memref<4096x512xf32, #tpu.memory_space<hbm>> -> memref<4x512xf32, #tpu.memory_space<hbm>>
        %dma_start3A_104 = arith.constant 0 : i32
        %dma_start3A_105 = tpu.memref_slice %arg6[%add3A_101, %dma_start3A_104] : memref<4096x512xf32, #tpu.memory_space<hbm>> -> memref<4x512xf32, #tpu.memory_space<hbm>>
        tpu.enqueue_dma source(%arg10 : memref<4x512xf32, #tpu.memory_space<vmem>>) target(%dma_start3A_105 : memref<4x512xf32, #tpu.memory_space<hbm>>) target_semaphore(%run_scoped3A : memref<!tpu.dma_semaphore, #tpu.memory_space<semaphore_mem>>)
        %dma_wait3A_106 = arith.constant 0 : i32
        %dma_wait3A_107 = tpu.memref_slice %arg6[%add3A_101, %dma_wait3A_106] : memref<4096x512xf32, #tpu.memory_space<hbm>> -> memref<4x512xf32, #tpu.memory_space<hbm>>
        %dma_wait3A_108 = arith.constant 0 : i32
        %dma_wait3A_109 = tpu.memref_slice %arg6[%add3A_101, %dma_wait3A_108] : memref<4096x512xf32, #tpu.memory_space<hbm>> -> memref<4x512xf32, #tpu.memory_space<hbm>>
        tpu.wait_dma2 semaphore(%run_scoped3A : memref<!tpu.dma_semaphore, #tpu.memory_space<semaphore_mem>>) src(%arg10 : memref<4x512xf32, #tpu.memory_space<vmem>>) dst(%dma_wait3A_109 : memref<4x512xf32, #tpu.memory_space<hbm>>)
        tpu.yield
      }) : () -> ()
    }
    %scan3A_12 = arith.constant 15 : i32
    %dma_start3A_13 = arith.constant 1984 : i32
    %dma_start3A_14 = tpu.memref_slice %arg7[%dma_start3A_13] : memref<2048xi32, #tpu.memory_space<vmem>> -> memref<64xi32, #tpu.memory_space<vmem>>
    %dma_start3A_15 = arith.constant 0 : i32
    %dma_start3A_16 = arith.constant 0 : i32
    %dma_start3A_17 = tpu.memref_slice %arg2[%dma_start3A_15, %dma_start3A_16] : memref<16384x512xf32, #tpu.memory_space<hbm>> -> memref<16384x512xf32, #tpu.memory_space<hbm>>
    tpu.enqueue_indirect_dma source(%dma_start3A_17 : memref<16384x512xf32, #tpu.memory_space<hbm>>) target(%arg9 : memref<64x512xf32, #tpu.memory_space<vmem>>) offsets(%dma_start3A_14 : memref<64xi32, #tpu.memory_space<vmem>>) semaphore(%arg14 : memref<!tpu.dma_semaphore, #tpu.memory_space<semaphore_mem>>)
    %dma_wait3A = arith.constant 1920 : i32
    %dma_wait3A_18 = tpu.memref_slice %arg7[%dma_wait3A] : memref<2048xi32, #tpu.memory_space<vmem>> -> memref<64xi32, #tpu.memory_space<vmem>>
    %dma_wait3A_19 = arith.constant 0 : i32
    %dma_wait3A_20 = arith.constant 0 : i32
    %dma_wait3A_21 = tpu.memref_slice %arg2[%dma_wait3A_19, %dma_wait3A_20] : memref<16384x512xf32, #tpu.memory_space<hbm>> -> memref<16384x512xf32, #tpu.memory_space<hbm>>
    tpu.wait_indirect_dma semaphore(%arg13 : memref<!tpu.dma_semaphore, #tpu.memory_space<semaphore_mem>>) src(%dma_wait3A_21 : memref<16384x512xf32, #tpu.memory_space<hbm>>) dst(%arg8 : memref<64x512xf32, #tpu.memory_space<vmem>>)
    %scan3A_22 = arith.constant 0 : i32
    %scan3A_23 = arith.constant 4 : i32
    %scan3A_24 = arith.addi %scan3A_22, %scan3A_23 : i32
    %scan3A_25 = arith.constant 1 : i32
    scf.for %scan3A_41 = %scan3A_22 to %scan3A_24 step %scan3A_25  : i32 {
      %mul3A_42 = arith.constant 1 : i32
      %mul3A_43 = arith.muli %scan3A_41, %mul3A_42 : i32
      %add3A_44 = arith.constant 0 : i32
      %add3A_45 = arith.addi %add3A_44, %mul3A_43 : i32
      %scan3A_46 = arith.constant 0 : i32
      %scan3A_47 = arith.constant 32 : i32
      %scan3A_48 = arith.addi %scan3A_46, %scan3A_47 : i32
      %scan3A_49 = arith.constant 1 : i32
      scf.for %scan3A_51 = %scan3A_46 to %scan3A_48 step %scan3A_49  : i32 {
        %mul3A_52 = arith.constant 16 : i32
        %mul3A_53 = arith.muli %scan3A_51, %mul3A_52 : i32
        %add3A_54 = arith.constant 0 : i32
        %add3A_55 = arith.addi %add3A_54, %mul3A_53 : i32
        %mul3A_56 = arith.constant 16 : i32
        %mul3A_57 = arith.muli %add3A_45, %mul3A_56 : i32
        %get3A = arith.index_cast %mul3A_57 : i32 to index
        %get3A_58 = arith.index_cast %add3A_55 : i32 to index
        %get3A_59 = tpu.vector_load %arg8[%get3A, %get3A_58] {strides = array<i32>} : memref<64x512xf32, #tpu.memory_space<vmem>>, vector<1x16xf32>,
        %get3A_60 = vector.shape_cast %get3A_59 : vector<1x16xf32> to vector<16xf32>
        %scan3A_61 = arith.constant 1 : i32
        %scan3A_62 = arith.constant 15 : i32
        %scan3A_63 = arith.addi %scan3A_61, %scan3A_62 : i32
        %scan3A_64 = arith.constant 1 : i32
        %scan3A_65 = scf.for %scan3A_81 = %scan3A_61 to %scan3A_63 step %scan3A_64 iter_args(%scan3A_82 = %get3A_60) -> (vector<16xf32>)  : i32 {
          %mul3A_83 = arith.constant 16 : i32
          %mul3A_84 = arith.muli %add3A_45, %mul3A_83 : i32
          %add3A_85 = arith.addi %mul3A_84, %scan3A_81 : i32
          %get3A_86 = arith.index_cast %add3A_85 : i32 to index
          %get3A_87 = arith.index_cast %add3A_55 : i32 to index
          %get3A_88 = tpu.vector_load %arg8[%get3A_86, %get3A_87] {strides = array<i32>} : memref<64x512xf32, #tpu.memory_space<vmem>>, vector<1x16xf32>,
          %get3A_89 = vector.shape_cast %get3A_88 : vector<1x16xf32> to vector<16xf32>
          %max3A_90 = arith.maximumf %scan3A_82, %get3A_89 : vector<16xf32>
          scf.yield %max3A_90 : vector<16xf32>
        }
        %scan3A_66 = arith.constant 15 : i32
        %get3A_67 = arith.index_cast %add3A_55 : i32 to index
        %get3A_68 = tpu.vector_load %arg11[%get3A_67] {strides = array<i32>} : memref<512xf32, #tpu.memory_space<vmem>>, vector<16xf32>,
        %get3A_69 = vector.shape_cast %get3A_68 : vector<16xf32> to vector<16xf32>
        %mul3A_70 = arith.mulf %scan3A_65, %get3A_69 : vector<16xf32>
        %get3A_71 = arith.index_cast %add3A_55 : i32 to index
        %get3A_72 = tpu.vector_load %arg12[%get3A_71] {strides = array<i32>} : memref<512xf32, #tpu.memory_space<vmem>>, vector<16xf32>,
        %get3A_73 = vector.shape_cast %get3A_72 : vector<16xf32> to vector<16xf32>
        %add3A_74 = arith.addf %mul3A_70, %get3A_73 : vector<16xf32>
        %max3A = arith.constant 0.000000e+00 : f32
        %max3A_75 = vector.broadcast %max3A : f32 to vector<16xf32>
        %max3A_76 = arith.maximumf %add3A_74, %max3A_75 : vector<16xf32>
        %swap3A = arith.index_cast %add3A_45 : i32 to index
        %swap3A_77 = arith.index_cast %add3A_55 : i32 to index
        %swap3A_78 = tpu.vector_load %arg10[%swap3A, %swap3A_77] {strides = array<i32>} : memref<4x512xf32, #tpu.memory_space<vmem>>, vector<1x16xf32>,
        %swap3A_79 = vector.shape_cast %swap3A_78 : vector<1x16xf32> to vector<16xf32>
        %swap3A_80 = vector.shape_cast %max3A_76 : vector<16xf32> to vector<1x16xf32>
        tpu.vector_store %arg10[%swap3A, %swap3A_77], %swap3A_80 {strides = array<i32>} : memref<4x512xf32, #tpu.memory_space<vmem>>, vector<1x16xf32>,
      }
      %scan3A_50 = arith.constant 32 : i32
    }
    %scan3A_26 = arith.constant 4 : i32
    %add3A_27 = arith.constant 120 : i32
    %add3A_28 = arith.addi %mul3A_2, %add3A_27 : i32
    "tpu.region"() ({
      %run_scoped3A = tpu.sem_alloc : memref<!tpu.dma_semaphore, #tpu.memory_space<semaphore_mem>>
      %dma_start3A_41 = arith.constant 0 : i32
      %dma_start3A_42 = tpu.memref_slice %arg6[%add3A_28, %dma_start3A_41] : memref<4096x512xf32, #tpu.memory_space<hbm>> -> memref<4x512xf32, #tpu.memory_space<hbm>>
      %dma_start3A_43 = arith.constant 0 : i32
      %dma_start3A_44 = tpu.memref_slice %arg6[%add3A_28, %dma_start3A_43] : memref<4096x512xf32, #tpu.memory_space<hbm>> -> memref<4x512xf32, #tpu.memory_space<hbm>>
      tpu.enqueue_dma source(%arg10 : memref<4x512xf32, #tpu.memory_space<vmem>>) target(%dma_start3A_44 : memref<4x512xf32, #tpu.memory_space<hbm>>) target_semaphore(%run_scoped3A : memref<!tpu.dma_semaphore, #tpu.memory_space<semaphore_mem>>)
      %dma_wait3A_45 = arith.constant 0 : i32
      %dma_wait3A_46 = tpu.memref_slice %arg6[%add3A_28, %dma_wait3A_45] : memref<4096x512xf32, #tpu.memory_space<hbm>> -> memref<4x512xf32, #tpu.memory_space<hbm>>
      %dma_wait3A_47 = arith.constant 0 : i32
      %dma_wait3A_48 = tpu.memref_slice %arg6[%add3A_28, %dma_wait3A_47] : memref<4096x512xf32, #tpu.memory_space<hbm>> -> memref<4x512xf32, #tpu.memory_space<hbm>>
      tpu.wait_dma2 semaphore(%run_scoped3A : memref<!tpu.dma_semaphore, #tpu.memory_space<semaphore_mem>>) src(%arg10 : memref<4x512xf32, #tpu.memory_space<vmem>>) dst(%dma_wait3A_48 : memref<4x512xf32, #tpu.memory_space<hbm>>)
      tpu.yield
    }) : () -> ()
    %dma_wait3A_29 = arith.constant 1984 : i32
    %dma_wait3A_30 = tpu.memref_slice %arg7[%dma_wait3A_29] : memref<2048xi32, #tpu.memory_space<vmem>> -> memref<64xi32, #tpu.memory_space<vmem>>
    %dma_wait3A_31 = arith.constant 0 : i32
    %dma_wait3A_32 = arith.constant 0 : i32
    %dma_wait3A_33 = tpu.memref_slice %arg2[%dma_wait3A_31, %dma_wait3A_32] : memref<16384x512xf32, #tpu.memory_space<hbm>> -> memref<16384x512xf32, #tpu.memory_space<hbm>>
    tpu.wait_indirect_dma semaphore(%arg14 : memref<!tpu.dma_semaphore, #tpu.memory_space<semaphore_mem>>) src(%dma_wait3A_33 : memref<16384x512xf32, #tpu.memory_space<hbm>>) dst(%arg9 : memref<64x512xf32, #tpu.memory_space<vmem>>)
    %scan3A_34 = arith.constant 0 : i32
    %scan3A_35 = arith.constant 4 : i32
    %scan3A_36 = arith.addi %scan3A_34, %scan3A_35 : i32
    %scan3A_37 = arith.constant 1 : i32
    scf.for %scan3A_41 = %scan3A_34 to %scan3A_36 step %scan3A_37  : i32 {
      %mul3A_42 = arith.constant 1 : i32
      %mul3A_43 = arith.muli %scan3A_41, %mul3A_42 : i32
      %add3A_44 = arith.constant 0 : i32
      %add3A_45 = arith.addi %add3A_44, %mul3A_43 : i32
      %scan3A_46 = arith.constant 0 : i32
      %scan3A_47 = arith.constant 32 : i32
      %scan3A_48 = arith.addi %scan3A_46, %scan3A_47 : i32
      %scan3A_49 = arith.constant 1 : i32
      scf.for %scan3A_51 = %scan3A_46 to %scan3A_48 step %scan3A_49  : i32 {
        %mul3A_52 = arith.constant 16 : i32
        %mul3A_53 = arith.muli %scan3A_51, %mul3A_52 : i32
        %add3A_54 = arith.constant 0 : i32
        %add3A_55 = arith.addi %add3A_54, %mul3A_53 : i32
        %mul3A_56 = arith.constant 16 : i32
        %mul3A_57 = arith.muli %add3A_45, %mul3A_56 : i32
        %get3A = arith.index_cast %mul3A_57 : i32 to index
        %get3A_58 = arith.index_cast %add3A_55 : i32 to index
        %get3A_59 = tpu.vector_load %arg9[%get3A, %get3A_58] {strides = array<i32>} : memref<64x512xf32, #tpu.memory_space<vmem>>, vector<1x16xf32>,
        %get3A_60 = vector.shape_cast %get3A_59 : vector<1x16xf32> to vector<16xf32>
        %scan3A_61 = arith.constant 1 : i32
        %scan3A_62 = arith.constant 15 : i32
        %scan3A_63 = arith.addi %scan3A_61, %scan3A_62 : i32
        %scan3A_64 = arith.constant 1 : i32
        %scan3A_65 = scf.for %scan3A_81 = %scan3A_61 to %scan3A_63 step %scan3A_64 iter_args(%scan3A_82 = %get3A_60) -> (vector<16xf32>)  : i32 {
          %mul3A_83 = arith.constant 16 : i32
          %mul3A_84 = arith.muli %add3A_45, %mul3A_83 : i32
          %add3A_85 = arith.addi %mul3A_84, %scan3A_81 : i32
          %get3A_86 = arith.index_cast %add3A_85 : i32 to index
          %get3A_87 = arith.index_cast %add3A_55 : i32 to index
          %get3A_88 = tpu.vector_load %arg9[%get3A_86, %get3A_87] {strides = array<i32>} : memref<64x512xf32, #tpu.memory_space<vmem>>, vector<1x16xf32>,
          %get3A_89 = vector.shape_cast %get3A_88 : vector<1x16xf32> to vector<16xf32>
          %max3A_90 = arith.maximumf %scan3A_82, %get3A_89 : vector<16xf32>
          scf.yield %max3A_90 : vector<16xf32>
        }
        %scan3A_66 = arith.constant 15 : i32
        %get3A_67 = arith.index_cast %add3A_55 : i32 to index
        %get3A_68 = tpu.vector_load %arg11[%get3A_67] {strides = array<i32>} : memref<512xf32, #tpu.memory_space<vmem>>, vector<16xf32>,
        %get3A_69 = vector.shape_cast %get3A_68 : vector<16xf32> to vector<16xf32>
        %mul3A_70 = arith.mulf %scan3A_65, %get3A_69 : vector<16xf32>
        %get3A_71 = arith.index_cast %add3A_55 : i32 to index
        %get3A_72 = tpu.vector_load %arg12[%get3A_71] {strides = array<i32>} : memref<512xf32, #tpu.memory_space<vmem>>, vector<16xf32>,
        %get3A_73 = vector.shape_cast %get3A_72 : vector<16xf32> to vector<16xf32>
        %add3A_74 = arith.addf %mul3A_70, %get3A_73 : vector<16xf32>
        %max3A = arith.constant 0.000000e+00 : f32
        %max3A_75 = vector.broadcast %max3A : f32 to vector<16xf32>
        %max3A_76 = arith.maximumf %add3A_74, %max3A_75 : vector<16xf32>
        %swap3A = arith.index_cast %add3A_45 : i32 to index
        %swap3A_77 = arith.index_cast %add3A_55 : i32 to index
        %swap3A_78 = tpu.vector_load %arg10[%swap3A, %swap3A_77] {strides = array<i32>} : memref<4x512xf32, #tpu.memory_space<vmem>>, vector<1x16xf32>,
        %swap3A_79 = vector.shape_cast %swap3A_78 : vector<1x16xf32> to vector<16xf32>
        %swap3A_80 = vector.shape_cast %max3A_76 : vector<16xf32> to vector<1x16xf32>
        tpu.vector_store %arg10[%swap3A, %swap3A_77], %swap3A_80 {strides = array<i32>} : memref<4x512xf32, #tpu.memory_space<vmem>>, vector<1x16xf32>,
      }
      %scan3A_50 = arith.constant 32 : i32
    }
    %scan3A_38 = arith.constant 4 : i32
    %add3A_39 = arith.constant 124 : i32
    %add3A_40 = arith.addi %mul3A_2, %add3A_39 : i32
    "tpu.region"() ({
      %run_scoped3A = tpu.sem_alloc : memref<!tpu.dma_semaphore, #tpu.memory_space<semaphore_mem>>
      %dma_start3A_41 = arith.constant 0 : i32
      %dma_start3A_42 = tpu.memref_slice %arg6[%add3A_40, %dma_start3A_41] : memref<4096x512xf32, #tpu.memory_space<hbm>> -> memref<4x512xf32, #tpu.memory_space<hbm>>
      %dma_start3A_43 = arith.constant 0 : i32
      %dma_start3A_44 = tpu.memref_slice %arg6[%add3A_40, %dma_start3A_43] : memref<4096x512xf32, #tpu.memory_space<hbm>> -> memref<4x512xf32, #tpu.memory_space<hbm>>
      tpu.enqueue_dma source(%arg10 : memref<4x512xf32, #tpu.memory_space<vmem>>) target(%dma_start3A_44 : memref<4x512xf32, #tpu.memory_space<hbm>>) target_semaphore(%run_scoped3A : memref<!tpu.dma_semaphore, #tpu.memory_space<semaphore_mem>>)
      %dma_wait3A_45 = arith.constant 0 : i32
      %dma_wait3A_46 = tpu.memref_slice %arg6[%add3A_40, %dma_wait3A_45] : memref<4096x512xf32, #tpu.memory_space<hbm>> -> memref<4x512xf32, #tpu.memory_space<hbm>>
      %dma_wait3A_47 = arith.constant 0 : i32
      %dma_wait3A_48 = tpu.memref_slice %arg6[%add3A_40, %dma_wait3A_47] : memref<4096x512xf32, #tpu.memory_space<hbm>> -> memref<4x512xf32, #tpu.memory_space<hbm>>
      tpu.wait_dma2 semaphore(%run_scoped3A : memref<!tpu.dma_semaphore, #tpu.memory_space<semaphore_mem>>) src(%arg10 : memref<4x512xf32, #tpu.memory_space<vmem>>) dst(%dma_wait3A_48 : memref<4x512xf32, #tpu.memory_space<hbm>>)
      tpu.yield
    }) : () -> ()
    return
  }
}

module attributes {stable_mosaic.version = 14 : i64} {
  func.func @_fps_body(%arg0: memref<128x128xf32, #tpu.memory_space<vmem>>, %arg1: memref<128x128xf32, #tpu.memory_space<vmem>>, %arg2: memref<128x128xf32, #tpu.memory_space<vmem>>, %arg3: memref<16384x128xf32, #tpu.memory_space<vmem>>, %arg4: memref<16384x128xf32, #tpu.memory_space<vmem>>, %arg5: memref<16384x128xf32, #tpu.memory_space<vmem>>, %arg6: memref<32x128xi32, #tpu.memory_space<vmem>>, %arg7: memref<32x128xf32, #tpu.memory_space<vmem>>, %arg8: memref<32x128xf32, #tpu.memory_space<vmem>>, %arg9: memref<32x128xf32, #tpu.memory_space<vmem>>, %arg10: memref<128x128xf32, #tpu.memory_space<vmem>>) attributes {dimension_semantics = [], scalar_prefetch = 0 : i64, scratch_operands = 1 : i64, tpu.core_type = #tpu.core_type<tc>} {
    %iota3A = tpu.iota {dimensions = array<i32: 0>} : vector<32x128xi32>
    %mul3A = arith.constant 128 : i32
    %mul3A_0 = vector.broadcast %mul3A : i32 to vector<32x128xi32>
    %mul3A_1 = arith.muli %iota3A, %mul3A_0 : vector<32x128xi32>
    %iota3A_2 = tpu.iota {dimensions = array<i32: 1>} : vector<32x128xi32>
    %add3A = arith.addi %mul3A_1, %iota3A_2 : vector<32x128xi32>
    %broadcast_in_dim3A = arith.constant 0 : i32
    %broadcast_in_dim3A_3 = vector.broadcast %broadcast_in_dim3A : i32 to vector<32x128xi32>
    %swap3A = arith.constant 0 : index
    %swap3A_4 = arith.constant 0 : index
    %swap3A_5 = vector.load %arg6[%swap3A, %swap3A_4] : memref<32x128xi32, #tpu.memory_space<vmem>>, vector<32x128xi32>
    tpu.vector_store %arg6[%swap3A, %swap3A_4], %broadcast_in_dim3A_3 {strides = array<i32>} : memref<32x128xi32, #tpu.memory_space<vmem>>, vector<32x128xi32>,
    %eq3A = arith.constant 0 : i32
    %eq3A_6 = vector.broadcast %eq3A : i32 to vector<32x128xi32>
    %eq3A_7 = arith.cmpi eq, %add3A, %eq3A_6 : vector<32x128xi32>
    %get3A = arith.constant 0 : index
    %get3A_8 = arith.constant 0 : index
    %get3A_9 = vector.load %arg0[%get3A, %get3A_8] : memref<128x128xf32, #tpu.memory_space<vmem>>, vector<1x1xf32>
    %get3A_10 = vector.extract %get3A_9[0, 0] : f32 from vector<1x1xf32>
    %jit3A = arith.constant 0.000000e+00 : f32
    %broadcast_in_dim3A_11 = vector.broadcast %get3A_10 : f32 to vector<32x128xf32>
    %broadcast_in_dim3A_12 = vector.broadcast %jit3A : f32 to vector<32x128xf32>
    %select_n3A = arith.select %eq3A_7, %broadcast_in_dim3A_11, %broadcast_in_dim3A_12 : vector<32x128xi1>, vector<32x128xf32>
    %swap3A_13 = arith.constant 0 : index
    %swap3A_14 = arith.constant 0 : index
    %swap3A_15 = vector.load %arg7[%swap3A_13, %swap3A_14] : memref<32x128xf32, #tpu.memory_space<vmem>>, vector<32x128xf32>
    tpu.vector_store %arg7[%swap3A_13, %swap3A_14], %select_n3A {strides = array<i32>} : memref<32x128xf32, #tpu.memory_space<vmem>>, vector<32x128xf32>,
    %get3A_16 = arith.constant 0 : index
    %get3A_17 = arith.constant 0 : index
    %get3A_18 = vector.load %arg1[%get3A_16, %get3A_17] : memref<128x128xf32, #tpu.memory_space<vmem>>, vector<1x1xf32>
    %get3A_19 = vector.extract %get3A_18[0, 0] : f32 from vector<1x1xf32>
    %jit3A_20 = arith.constant 0.000000e+00 : f32
    %broadcast_in_dim3A_21 = vector.broadcast %get3A_19 : f32 to vector<32x128xf32>
    %broadcast_in_dim3A_22 = vector.broadcast %jit3A_20 : f32 to vector<32x128xf32>
    %select_n3A_23 = arith.select %eq3A_7, %broadcast_in_dim3A_21, %broadcast_in_dim3A_22 : vector<32x128xi1>, vector<32x128xf32>
    %swap3A_24 = arith.constant 0 : index
    %swap3A_25 = arith.constant 0 : index
    %swap3A_26 = vector.load %arg8[%swap3A_24, %swap3A_25] : memref<32x128xf32, #tpu.memory_space<vmem>>, vector<32x128xf32>
    tpu.vector_store %arg8[%swap3A_24, %swap3A_25], %select_n3A_23 {strides = array<i32>} : memref<32x128xf32, #tpu.memory_space<vmem>>, vector<32x128xf32>,
    %get3A_27 = arith.constant 0 : index
    %get3A_28 = arith.constant 0 : index
    %get3A_29 = vector.load %arg2[%get3A_27, %get3A_28] : memref<128x128xf32, #tpu.memory_space<vmem>>, vector<1x1xf32>
    %get3A_30 = vector.extract %get3A_29[0, 0] : f32 from vector<1x1xf32>
    %jit3A_31 = arith.constant 0.000000e+00 : f32
    %broadcast_in_dim3A_32 = vector.broadcast %get3A_30 : f32 to vector<32x128xf32>
    %broadcast_in_dim3A_33 = vector.broadcast %jit3A_31 : f32 to vector<32x128xf32>
    %select_n3A_34 = arith.select %eq3A_7, %broadcast_in_dim3A_32, %broadcast_in_dim3A_33 : vector<32x128xi1>, vector<32x128xf32>
    %swap3A_35 = arith.constant 0 : index
    %swap3A_36 = arith.constant 0 : index
    %swap3A_37 = vector.load %arg9[%swap3A_35, %swap3A_36] : memref<32x128xf32, #tpu.memory_space<vmem>>, vector<32x128xf32>
    tpu.vector_store %arg9[%swap3A_35, %swap3A_36], %select_n3A_34 {strides = array<i32>} : memref<32x128xf32, #tpu.memory_space<vmem>>, vector<32x128xf32>,
    %broadcast_in_dim3A_38 = arith.constant 0x7F800000 : f32
    %broadcast_in_dim3A_39 = vector.broadcast %broadcast_in_dim3A_38 : f32 to vector<128x128xf32>
    %swap3A_40 = arith.constant 0 : index
    %swap3A_41 = arith.constant 0 : index
    %swap3A_42 = vector.load %arg10[%swap3A_40, %swap3A_41] : memref<128x128xf32, #tpu.memory_space<vmem>>, vector<128x128xf32>
    tpu.vector_store %arg10[%swap3A_40, %swap3A_41], %broadcast_in_dim3A_39 {strides = array<i32>} : memref<128x128xf32, #tpu.memory_space<vmem>>, vector<128x128xf32>,
    %get3A_43 = arith.constant 0 : index
    %get3A_44 = arith.constant 0 : index
    %get3A_45 = vector.load %arg3[%get3A_43, %get3A_44] : memref<16384x128xf32, #tpu.memory_space<vmem>>, vector<1x128xf32>
    %get3A_46 = arith.constant 0 : index
    %get3A_47 = arith.constant 0 : index
    %get3A_48 = vector.load %arg4[%get3A_46, %get3A_47] : memref<16384x128xf32, #tpu.memory_space<vmem>>, vector<1x128xf32>
    %get3A_49 = arith.constant 0 : index
    %get3A_50 = arith.constant 0 : index
    %get3A_51 = vector.load %arg5[%get3A_49, %get3A_50] : memref<16384x128xf32, #tpu.memory_space<vmem>>, vector<1x128xf32>
    %scan3A = arith.constant 1 : i32
    %scan3A_52 = arith.constant 4095 : i32
    %scan3A_53 = arith.addi %scan3A, %scan3A_52 : i32
    %scan3A_54 = arith.constant 1 : i32
    %scan3A_55:3 = scf.for %scan3A_57 = %scan3A to %scan3A_53 step %scan3A_54 iter_args(%scan3A_58 = %get3A_45, %scan3A_59 = %get3A_48, %scan3A_60 = %get3A_51) -> (vector<1x128xf32>, vector<1x128xf32>, vector<1x128xf32>)  : i32 {
      %get3A_61 = arith.constant 0 : index
      %get3A_62 = arith.constant 0 : index
      %get3A_63 = vector.load %arg0[%get3A_61, %get3A_62] : memref<128x128xf32, #tpu.memory_space<vmem>>, vector<128x128xf32>
      %broadcast_in_dim3A_64 = vector.shape_cast %scan3A_58 : vector<1x128xf32> to vector<1x128xf32>
      %broadcast_in_dim3A_65 = vector.broadcast %broadcast_in_dim3A_64 : vector<1x128xf32> to vector<128x128xf32>
      %sub3A = arith.subf %get3A_63, %broadcast_in_dim3A_65 : vector<128x128xf32>
      %get3A_66 = arith.constant 0 : index
      %get3A_67 = arith.constant 0 : index
      %get3A_68 = vector.load %arg1[%get3A_66, %get3A_67] : memref<128x128xf32, #tpu.memory_space<vmem>>, vector<128x128xf32>
      %broadcast_in_dim3A_69 = vector.shape_cast %scan3A_59 : vector<1x128xf32> to vector<1x128xf32>
      %broadcast_in_dim3A_70 = vector.broadcast %broadcast_in_dim3A_69 : vector<1x128xf32> to vector<128x128xf32>
      %sub3A_71 = arith.subf %get3A_68, %broadcast_in_dim3A_70 : vector<128x128xf32>
      %get3A_72 = arith.constant 0 : index
      %get3A_73 = arith.constant 0 : index
      %get3A_74 = vector.load %arg2[%get3A_72, %get3A_73] : memref<128x128xf32, #tpu.memory_space<vmem>>, vector<128x128xf32>
      %broadcast_in_dim3A_75 = vector.shape_cast %scan3A_60 : vector<1x128xf32> to vector<1x128xf32>
      %broadcast_in_dim3A_76 = vector.broadcast %broadcast_in_dim3A_75 : vector<1x128xf32> to vector<128x128xf32>
      %sub3A_77 = arith.subf %get3A_74, %broadcast_in_dim3A_76 : vector<128x128xf32>
      %mul3A_78 = arith.mulf %sub3A, %sub3A : vector<128x128xf32>
      %mul3A_79 = arith.mulf %sub3A_77, %sub3A_77 : vector<128x128xf32>
      %add3A_80 = arith.addf %mul3A_78, %mul3A_79 : vector<128x128xf32>
      %mul3A_81 = arith.mulf %sub3A_71, %sub3A_71 : vector<128x128xf32>
      %add3A_82 = arith.addf %add3A_80, %mul3A_81 : vector<128x128xf32>
      %get3A_83 = arith.constant 0 : index
      %get3A_84 = arith.constant 0 : index
      %get3A_85 = vector.load %arg10[%get3A_83, %get3A_84] : memref<128x128xf32, #tpu.memory_space<vmem>>, vector<128x128xf32>
      %min3A = arith.minimumf %get3A_85, %add3A_82 : vector<128x128xf32>
      %swap3A_86 = arith.constant 0 : index
      %swap3A_87 = arith.constant 0 : index
      %swap3A_88 = vector.load %arg10[%swap3A_86, %swap3A_87] : memref<128x128xf32, #tpu.memory_space<vmem>>, vector<128x128xf32>
      tpu.vector_store %arg10[%swap3A_86, %swap3A_87], %min3A {strides = array<i32>} : memref<128x128xf32, #tpu.memory_space<vmem>>, vector<128x128xf32>,
      %get3A_89 = arith.constant 0 : index
      %get3A_90 = arith.constant 0 : index
      %get3A_91 = vector.load %arg10[%get3A_89, %get3A_90] : memref<128x128xf32, #tpu.memory_space<vmem>>, vector<128x128xf32>
      %reduce_max3A = arith.constant dense<0xFF800000> : vector<128xf32>
      %reduce_max3A_92 = vector.multi_reduction <maximumf>, %get3A_91, %reduce_max3A [0] : vector<128x128xf32> to vector<128xf32>
      %broadcast_in_dim3A_93 = vector.shape_cast %reduce_max3A_92 : vector<128xf32> to vector<1x128xf32>
      %reduce_max3A_94 = arith.constant dense<0xFF800000> : vector<1xf32>
      %reduce_max3A_95 = vector.multi_reduction <maximumf>, %broadcast_in_dim3A_93, %reduce_max3A_94 [1] : vector<1x128xf32> to vector<1xf32>
      %broadcast_in_dim3A_96 = vector.shape_cast %reduce_max3A_95 : vector<1xf32> to vector<1x1xf32>
      %iota3A_97 = tpu.iota {dimensions = array<i32: 0>} : vector<128x128xi32>
      %mul3A_98 = arith.constant 128 : i32
      %mul3A_99 = vector.broadcast %mul3A_98 : i32 to vector<128x128xi32>
      %mul3A_100 = arith.muli %iota3A_97, %mul3A_99 : vector<128x128xi32>
      %iota3A_101 = tpu.iota {dimensions = array<i32: 1>} : vector<128x128xi32>
      %add3A_102 = arith.addi %mul3A_100, %iota3A_101 : vector<128x128xi32>
      %convert_element_type3A = arith.sitofp %add3A_102 : vector<128x128xi32> to vector<128x128xf32>
      %broadcast_in_dim3A_103 = vector.shape_cast %broadcast_in_dim3A_96 : vector<1x1xf32> to vector<1x1xf32>
      %broadcast_in_dim3A_104 = vector.broadcast %broadcast_in_dim3A_103 : vector<1x1xf32> to vector<128x128xf32>
      %eq3A_105 = arith.cmpf oeq, %get3A_91, %broadcast_in_dim3A_104 : vector<128x128xf32>
      %jit3A_106 = arith.constant 3.000000e+07 : f32
      %broadcast_in_dim3A_107 = vector.broadcast %jit3A_106 : f32 to vector<128x128xf32>
      %select_n3A_108 = arith.select %eq3A_105, %convert_element_type3A, %broadcast_in_dim3A_107 : vector<128x128xi1>, vector<128x128xf32>
      %reduce_min3A = arith.constant dense<0x7F800000> : vector<128xf32>
      %reduce_min3A_109 = vector.multi_reduction <minimumf>, %select_n3A_108, %reduce_min3A [0] : vector<128x128xf32> to vector<128xf32>
      %broadcast_in_dim3A_110 = vector.shape_cast %reduce_min3A_109 : vector<128xf32> to vector<1x128xf32>
      %reduce_min3A_111 = arith.constant dense<0x7F800000> : vector<1xf32>
      %reduce_min3A_112 = vector.multi_reduction <minimumf>, %broadcast_in_dim3A_110, %reduce_min3A_111 [1] : vector<1x128xf32> to vector<1xf32>
      %broadcast_in_dim3A_113 = vector.shape_cast %reduce_min3A_112 : vector<1xf32> to vector<1x1xf32>
      %squeeze3A = vector.extract %broadcast_in_dim3A_113[0, 0] : f32 from vector<1x1xf32>
      %convert_element_type3A_114 = arith.fptosi %squeeze3A : f32 to i32
      %get3A_115 = arith.index_cast %convert_element_type3A_114 : i32 to index
      %get3A_116 = arith.constant 0 : index
      %get3A_117 = vector.load %arg3[%get3A_115, %get3A_116] : memref<16384x128xf32, #tpu.memory_space<vmem>>, vector<1x128xf32>
      %get3A_118 = arith.index_cast %convert_element_type3A_114 : i32 to index
      %get3A_119 = arith.constant 0 : index
      %get3A_120 = vector.load %arg4[%get3A_118, %get3A_119] : memref<16384x128xf32, #tpu.memory_space<vmem>>, vector<1x128xf32>
      %get3A_121 = arith.index_cast %convert_element_type3A_114 : i32 to index
      %get3A_122 = arith.constant 0 : index
      %get3A_123 = vector.load %arg5[%get3A_121, %get3A_122] : memref<16384x128xf32, #tpu.memory_space<vmem>>, vector<1x128xf32>
      %eq3A_124 = vector.broadcast %scan3A_57 : i32 to vector<32x128xi32>
      %eq3A_125 = arith.cmpi eq, %add3A, %eq3A_124 : vector<32x128xi32>
      %get3A_126 = arith.constant 0 : index
      %get3A_127 = arith.constant 0 : index
      %get3A_128 = vector.load %arg6[%get3A_126, %get3A_127] : memref<32x128xi32, #tpu.memory_space<vmem>>, vector<32x128xi32>
      %broadcast_in_dim3A_129 = vector.broadcast %convert_element_type3A_114 : i32 to vector<32x128xi32>
      %select_n3A_130 = arith.select %eq3A_125, %broadcast_in_dim3A_129, %get3A_128 : vector<32x128xi1>, vector<32x128xi32>
      %swap3A_131 = arith.constant 0 : index
      %swap3A_132 = arith.constant 0 : index
      %swap3A_133 = vector.load %arg6[%swap3A_131, %swap3A_132] : memref<32x128xi32, #tpu.memory_space<vmem>>, vector<32x128xi32>
      tpu.vector_store %arg6[%swap3A_131, %swap3A_132], %select_n3A_130 {strides = array<i32>} : memref<32x128xi32, #tpu.memory_space<vmem>>, vector<32x128xi32>,
      %broadcast_in_dim3A_134 = vector.shape_cast %get3A_117 : vector<1x128xf32> to vector<1x128xf32>
      %broadcast_in_dim3A_135 = vector.broadcast %broadcast_in_dim3A_134 : vector<1x128xf32> to vector<32x128xf32>
      %get3A_136 = arith.constant 0 : index
      %get3A_137 = arith.constant 0 : index
      %get3A_138 = vector.load %arg7[%get3A_136, %get3A_137] : memref<32x128xf32, #tpu.memory_space<vmem>>, vector<32x128xf32>
      %select_n3A_139 = arith.select %eq3A_125, %broadcast_in_dim3A_135, %get3A_138 : vector<32x128xi1>, vector<32x128xf32>
      %swap3A_140 = arith.constant 0 : index
      %swap3A_141 = arith.constant 0 : index
      %swap3A_142 = vector.load %arg7[%swap3A_140, %swap3A_141] : memref<32x128xf32, #tpu.memory_space<vmem>>, vector<32x128xf32>
      tpu.vector_store %arg7[%swap3A_140, %swap3A_141], %select_n3A_139 {strides = array<i32>} : memref<32x128xf32, #tpu.memory_space<vmem>>, vector<32x128xf32>,
      %broadcast_in_dim3A_143 = vector.shape_cast %get3A_120 : vector<1x128xf32> to vector<1x128xf32>
      %broadcast_in_dim3A_144 = vector.broadcast %broadcast_in_dim3A_143 : vector<1x128xf32> to vector<32x128xf32>
      %get3A_145 = arith.constant 0 : index
      %get3A_146 = arith.constant 0 : index
      %get3A_147 = vector.load %arg8[%get3A_145, %get3A_146] : memref<32x128xf32, #tpu.memory_space<vmem>>, vector<32x128xf32>
      %select_n3A_148 = arith.select %eq3A_125, %broadcast_in_dim3A_144, %get3A_147 : vector<32x128xi1>, vector<32x128xf32>
      %swap3A_149 = arith.constant 0 : index
      %swap3A_150 = arith.constant 0 : index
      %swap3A_151 = vector.load %arg8[%swap3A_149, %swap3A_150] : memref<32x128xf32, #tpu.memory_space<vmem>>, vector<32x128xf32>
      tpu.vector_store %arg8[%swap3A_149, %swap3A_150], %select_n3A_148 {strides = array<i32>} : memref<32x128xf32, #tpu.memory_space<vmem>>, vector<32x128xf32>,
      %broadcast_in_dim3A_152 = vector.shape_cast %get3A_123 : vector<1x128xf32> to vector<1x128xf32>
      %broadcast_in_dim3A_153 = vector.broadcast %broadcast_in_dim3A_152 : vector<1x128xf32> to vector<32x128xf32>
      %get3A_154 = arith.constant 0 : index
      %get3A_155 = arith.constant 0 : index
      %get3A_156 = vector.load %arg9[%get3A_154, %get3A_155] : memref<32x128xf32, #tpu.memory_space<vmem>>, vector<32x128xf32>
      %select_n3A_157 = arith.select %eq3A_125, %broadcast_in_dim3A_153, %get3A_156 : vector<32x128xi1>, vector<32x128xf32>
      %swap3A_158 = arith.constant 0 : index
      %swap3A_159 = arith.constant 0 : index
      %swap3A_160 = vector.load %arg9[%swap3A_158, %swap3A_159] : memref<32x128xf32, #tpu.memory_space<vmem>>, vector<32x128xf32>
      tpu.vector_store %arg9[%swap3A_158, %swap3A_159], %select_n3A_157 {strides = array<i32>} : memref<32x128xf32, #tpu.memory_space<vmem>>, vector<32x128xf32>,
      scf.yield %get3A_117, %get3A_120, %get3A_123 : vector<1x128xf32>, vector<1x128xf32>, vector<1x128xf32>
    }
    %scan3A_56 = arith.constant 4095 : i32
    return
  }
}

module attributes {stable_mosaic.version = 14 : i64} {
  func.func @_knn_body(%arg0: i32, %arg1: memref<256x128xf32, #tpu.memory_space<vmem>>, %arg2: memref<256x128xf32, #tpu.memory_space<vmem>>, %arg3: memref<256x128xf32, #tpu.memory_space<vmem>>, %arg4: memref<1x16384xf32, #tpu.memory_space<vmem>>, %arg5: memref<1x16384xf32, #tpu.memory_space<vmem>>, %arg6: memref<1x16384xf32, #tpu.memory_space<vmem>>, %arg7: memref<256x16xi32, #tpu.memory_space<vmem>>, %arg8: memref<256x16384xf32, #tpu.memory_space<vmem>>) attributes {dimension_semantics = [#tpu.dimension_semantics<arbitrary>], iteration_bounds = array<i64: 16>, scalar_prefetch = 0 : i64, scratch_operands = 1 : i64, tpu.core_type = #tpu.core_type<tc>, window_params = [{transform_indices = @transform_0, window_bounds = array<i64: 256, 128>}, {transform_indices = @transform_1, window_bounds = array<i64: 256, 128>}, {transform_indices = @transform_2, window_bounds = array<i64: 256, 128>}, {pipeline_mode = #tpu.pipeline_mode<synchronous>, transform_indices = @transform_3, window_bounds = array<i64: 1, 16384>}, {pipeline_mode = #tpu.pipeline_mode<synchronous>, transform_indices = @transform_4, window_bounds = array<i64: 1, 16384>}, {pipeline_mode = #tpu.pipeline_mode<synchronous>, transform_indices = @transform_5, window_bounds = array<i64: 1, 16384>}, {transform_indices = @transform_6, window_bounds = array<i64: 256, 16>}]} {
    %get3A = arith.constant 0 : index
    %get3A_0 = arith.constant 0 : index
    %get3A_1 = vector.load %arg1[%get3A, %get3A_0] : memref<256x128xf32, #tpu.memory_space<vmem>>, vector<256x128xf32>
    %slice3A = vector.extract_strided_slice %get3A_1 {offsets = [0, 0], sizes = [256, 1], strides = [1, 1]} : vector<256x128xf32> to vector<256x1xf32>
    %get3A_2 = arith.constant 0 : index
    %get3A_3 = arith.constant 0 : index
    %get3A_4 = vector.load %arg2[%get3A_2, %get3A_3] : memref<256x128xf32, #tpu.memory_space<vmem>>, vector<256x128xf32>
    %slice3A_5 = vector.extract_strided_slice %get3A_4 {offsets = [0, 0], sizes = [256, 1], strides = [1, 1]} : vector<256x128xf32> to vector<256x1xf32>
    %get3A_6 = arith.constant 0 : index
    %get3A_7 = arith.constant 0 : index
    %get3A_8 = vector.load %arg3[%get3A_6, %get3A_7] : memref<256x128xf32, #tpu.memory_space<vmem>>, vector<256x128xf32>
    %slice3A_9 = vector.extract_strided_slice %get3A_8 {offsets = [0, 0], sizes = [256, 1], strides = [1, 1]} : vector<256x128xf32> to vector<256x1xf32>
    %get3A_10 = arith.constant 0 : index
    %get3A_11 = arith.constant 0 : index
    %get3A_12 = vector.load %arg4[%get3A_10, %get3A_11] : memref<1x16384xf32, #tpu.memory_space<vmem>>, vector<1x2048xf32>
    %get3A_13 = arith.constant 0 : index
    %get3A_14 = arith.constant 0 : index
    %get3A_15 = vector.load %arg5[%get3A_13, %get3A_14] : memref<1x16384xf32, #tpu.memory_space<vmem>>, vector<1x2048xf32>
    %get3A_16 = arith.constant 0 : index
    %get3A_17 = arith.constant 0 : index
    %get3A_18 = vector.load %arg6[%get3A_16, %get3A_17] : memref<1x16384xf32, #tpu.memory_space<vmem>>, vector<1x2048xf32>
    %sub3A = vector.broadcast %slice3A : vector<256x1xf32> to vector<256x2048xf32>
    %sub3A_19 = vector.broadcast %get3A_12 : vector<1x2048xf32> to vector<256x2048xf32>
    %sub3A_20 = arith.subf %sub3A, %sub3A_19 : vector<256x2048xf32>
    %sub3A_21 = vector.broadcast %slice3A_5 : vector<256x1xf32> to vector<256x2048xf32>
    %sub3A_22 = vector.broadcast %get3A_15 : vector<1x2048xf32> to vector<256x2048xf32>
    %sub3A_23 = arith.subf %sub3A_21, %sub3A_22 : vector<256x2048xf32>
    %sub3A_24 = vector.broadcast %slice3A_9 : vector<256x1xf32> to vector<256x2048xf32>
    %sub3A_25 = vector.broadcast %get3A_18 : vector<1x2048xf32> to vector<256x2048xf32>
    %sub3A_26 = arith.subf %sub3A_24, %sub3A_25 : vector<256x2048xf32>
    %mul3A = arith.mulf %sub3A_20, %sub3A_20 : vector<256x2048xf32>
    %mul3A_27 = arith.mulf %sub3A_23, %sub3A_23 : vector<256x2048xf32>
    %add3A = arith.addf %mul3A, %mul3A_27 : vector<256x2048xf32>
    %mul3A_28 = arith.mulf %sub3A_26, %sub3A_26 : vector<256x2048xf32>
    %add3A_29 = arith.addf %add3A, %mul3A_28 : vector<256x2048xf32>
    %swap3A = arith.constant 0 : index
    %swap3A_30 = arith.constant 0 : index
    %swap3A_31 = vector.load %arg8[%swap3A, %swap3A_30] : memref<256x16384xf32, #tpu.memory_space<vmem>>, vector<256x2048xf32>
    tpu.vector_store %arg8[%swap3A, %swap3A_30], %add3A_29 {strides = array<i32>} : memref<256x16384xf32, #tpu.memory_space<vmem>>, vector<256x2048xf32>,
    %get3A_32 = arith.constant 0 : index
    %get3A_33 = arith.constant 2048 : index
    %get3A_34 = vector.load %arg4[%get3A_32, %get3A_33] : memref<1x16384xf32, #tpu.memory_space<vmem>>, vector<1x2048xf32>
    %get3A_35 = arith.constant 0 : index
    %get3A_36 = arith.constant 2048 : index
    %get3A_37 = vector.load %arg5[%get3A_35, %get3A_36] : memref<1x16384xf32, #tpu.memory_space<vmem>>, vector<1x2048xf32>
    %get3A_38 = arith.constant 0 : index
    %get3A_39 = arith.constant 2048 : index
    %get3A_40 = vector.load %arg6[%get3A_38, %get3A_39] : memref<1x16384xf32, #tpu.memory_space<vmem>>, vector<1x2048xf32>
    %sub3A_41 = vector.broadcast %slice3A : vector<256x1xf32> to vector<256x2048xf32>
    %sub3A_42 = vector.broadcast %get3A_34 : vector<1x2048xf32> to vector<256x2048xf32>
    %sub3A_43 = arith.subf %sub3A_41, %sub3A_42 : vector<256x2048xf32>
    %sub3A_44 = vector.broadcast %slice3A_5 : vector<256x1xf32> to vector<256x2048xf32>
    %sub3A_45 = vector.broadcast %get3A_37 : vector<1x2048xf32> to vector<256x2048xf32>
    %sub3A_46 = arith.subf %sub3A_44, %sub3A_45 : vector<256x2048xf32>
    %sub3A_47 = vector.broadcast %slice3A_9 : vector<256x1xf32> to vector<256x2048xf32>
    %sub3A_48 = vector.broadcast %get3A_40 : vector<1x2048xf32> to vector<256x2048xf32>
    %sub3A_49 = arith.subf %sub3A_47, %sub3A_48 : vector<256x2048xf32>
    %mul3A_50 = arith.mulf %sub3A_43, %sub3A_43 : vector<256x2048xf32>
    %mul3A_51 = arith.mulf %sub3A_46, %sub3A_46 : vector<256x2048xf32>
    %add3A_52 = arith.addf %mul3A_50, %mul3A_51 : vector<256x2048xf32>
    %mul3A_53 = arith.mulf %sub3A_49, %sub3A_49 : vector<256x2048xf32>
    %add3A_54 = arith.addf %add3A_52, %mul3A_53 : vector<256x2048xf32>
    %swap3A_55 = arith.constant 0 : index
    %swap3A_56 = arith.constant 2048 : index
    %swap3A_57 = vector.load %arg8[%swap3A_55, %swap3A_56] : memref<256x16384xf32, #tpu.memory_space<vmem>>, vector<256x2048xf32>
    tpu.vector_store %arg8[%swap3A_55, %swap3A_56], %add3A_54 {strides = array<i32>} : memref<256x16384xf32, #tpu.memory_space<vmem>>, vector<256x2048xf32>,
    %get3A_58 = arith.constant 0 : index
    %get3A_59 = arith.constant 4096 : index
    %get3A_60 = vector.load %arg4[%get3A_58, %get3A_59] : memref<1x16384xf32, #tpu.memory_space<vmem>>, vector<1x2048xf32>
    %get3A_61 = arith.constant 0 : index
    %get3A_62 = arith.constant 4096 : index
    %get3A_63 = vector.load %arg5[%get3A_61, %get3A_62] : memref<1x16384xf32, #tpu.memory_space<vmem>>, vector<1x2048xf32>
    %get3A_64 = arith.constant 0 : index
    %get3A_65 = arith.constant 4096 : index
    %get3A_66 = vector.load %arg6[%get3A_64, %get3A_65] : memref<1x16384xf32, #tpu.memory_space<vmem>>, vector<1x2048xf32>
    %sub3A_67 = vector.broadcast %slice3A : vector<256x1xf32> to vector<256x2048xf32>
    %sub3A_68 = vector.broadcast %get3A_60 : vector<1x2048xf32> to vector<256x2048xf32>
    %sub3A_69 = arith.subf %sub3A_67, %sub3A_68 : vector<256x2048xf32>
    %sub3A_70 = vector.broadcast %slice3A_5 : vector<256x1xf32> to vector<256x2048xf32>
    %sub3A_71 = vector.broadcast %get3A_63 : vector<1x2048xf32> to vector<256x2048xf32>
    %sub3A_72 = arith.subf %sub3A_70, %sub3A_71 : vector<256x2048xf32>
    %sub3A_73 = vector.broadcast %slice3A_9 : vector<256x1xf32> to vector<256x2048xf32>
    %sub3A_74 = vector.broadcast %get3A_66 : vector<1x2048xf32> to vector<256x2048xf32>
    %sub3A_75 = arith.subf %sub3A_73, %sub3A_74 : vector<256x2048xf32>
    %mul3A_76 = arith.mulf %sub3A_69, %sub3A_69 : vector<256x2048xf32>
    %mul3A_77 = arith.mulf %sub3A_72, %sub3A_72 : vector<256x2048xf32>
    %add3A_78 = arith.addf %mul3A_76, %mul3A_77 : vector<256x2048xf32>
    %mul3A_79 = arith.mulf %sub3A_75, %sub3A_75 : vector<256x2048xf32>
    %add3A_80 = arith.addf %add3A_78, %mul3A_79 : vector<256x2048xf32>
    %swap3A_81 = arith.constant 0 : index
    %swap3A_82 = arith.constant 4096 : index
    %swap3A_83 = vector.load %arg8[%swap3A_81, %swap3A_82] : memref<256x16384xf32, #tpu.memory_space<vmem>>, vector<256x2048xf32>
    tpu.vector_store %arg8[%swap3A_81, %swap3A_82], %add3A_80 {strides = array<i32>} : memref<256x16384xf32, #tpu.memory_space<vmem>>, vector<256x2048xf32>,
    %get3A_84 = arith.constant 0 : index
    %get3A_85 = arith.constant 6144 : index
    %get3A_86 = vector.load %arg4[%get3A_84, %get3A_85] : memref<1x16384xf32, #tpu.memory_space<vmem>>, vector<1x2048xf32>
    %get3A_87 = arith.constant 0 : index
    %get3A_88 = arith.constant 6144 : index
    %get3A_89 = vector.load %arg5[%get3A_87, %get3A_88] : memref<1x16384xf32, #tpu.memory_space<vmem>>, vector<1x2048xf32>
    %get3A_90 = arith.constant 0 : index
    %get3A_91 = arith.constant 6144 : index
    %get3A_92 = vector.load %arg6[%get3A_90, %get3A_91] : memref<1x16384xf32, #tpu.memory_space<vmem>>, vector<1x2048xf32>
    %sub3A_93 = vector.broadcast %slice3A : vector<256x1xf32> to vector<256x2048xf32>
    %sub3A_94 = vector.broadcast %get3A_86 : vector<1x2048xf32> to vector<256x2048xf32>
    %sub3A_95 = arith.subf %sub3A_93, %sub3A_94 : vector<256x2048xf32>
    %sub3A_96 = vector.broadcast %slice3A_5 : vector<256x1xf32> to vector<256x2048xf32>
    %sub3A_97 = vector.broadcast %get3A_89 : vector<1x2048xf32> to vector<256x2048xf32>
    %sub3A_98 = arith.subf %sub3A_96, %sub3A_97 : vector<256x2048xf32>
    %sub3A_99 = vector.broadcast %slice3A_9 : vector<256x1xf32> to vector<256x2048xf32>
    %sub3A_100 = vector.broadcast %get3A_92 : vector<1x2048xf32> to vector<256x2048xf32>
    %sub3A_101 = arith.subf %sub3A_99, %sub3A_100 : vector<256x2048xf32>
    %mul3A_102 = arith.mulf %sub3A_95, %sub3A_95 : vector<256x2048xf32>
    %mul3A_103 = arith.mulf %sub3A_98, %sub3A_98 : vector<256x2048xf32>
    %add3A_104 = arith.addf %mul3A_102, %mul3A_103 : vector<256x2048xf32>
    %mul3A_105 = arith.mulf %sub3A_101, %sub3A_101 : vector<256x2048xf32>
    %add3A_106 = arith.addf %add3A_104, %mul3A_105 : vector<256x2048xf32>
    %swap3A_107 = arith.constant 0 : index
    %swap3A_108 = arith.constant 6144 : index
    %swap3A_109 = vector.load %arg8[%swap3A_107, %swap3A_108] : memref<256x16384xf32, #tpu.memory_space<vmem>>, vector<256x2048xf32>
    tpu.vector_store %arg8[%swap3A_107, %swap3A_108], %add3A_106 {strides = array<i32>} : memref<256x16384xf32, #tpu.memory_space<vmem>>, vector<256x2048xf32>,
    %get3A_110 = arith.constant 0 : index
    %get3A_111 = arith.constant 8192 : index
    %get3A_112 = vector.load %arg4[%get3A_110, %get3A_111] : memref<1x16384xf32, #tpu.memory_space<vmem>>, vector<1x2048xf32>
    %get3A_113 = arith.constant 0 : index
    %get3A_114 = arith.constant 8192 : index
    %get3A_115 = vector.load %arg5[%get3A_113, %get3A_114] : memref<1x16384xf32, #tpu.memory_space<vmem>>, vector<1x2048xf32>
    %get3A_116 = arith.constant 0 : index
    %get3A_117 = arith.constant 8192 : index
    %get3A_118 = vector.load %arg6[%get3A_116, %get3A_117] : memref<1x16384xf32, #tpu.memory_space<vmem>>, vector<1x2048xf32>
    %sub3A_119 = vector.broadcast %slice3A : vector<256x1xf32> to vector<256x2048xf32>
    %sub3A_120 = vector.broadcast %get3A_112 : vector<1x2048xf32> to vector<256x2048xf32>
    %sub3A_121 = arith.subf %sub3A_119, %sub3A_120 : vector<256x2048xf32>
    %sub3A_122 = vector.broadcast %slice3A_5 : vector<256x1xf32> to vector<256x2048xf32>
    %sub3A_123 = vector.broadcast %get3A_115 : vector<1x2048xf32> to vector<256x2048xf32>
    %sub3A_124 = arith.subf %sub3A_122, %sub3A_123 : vector<256x2048xf32>
    %sub3A_125 = vector.broadcast %slice3A_9 : vector<256x1xf32> to vector<256x2048xf32>
    %sub3A_126 = vector.broadcast %get3A_118 : vector<1x2048xf32> to vector<256x2048xf32>
    %sub3A_127 = arith.subf %sub3A_125, %sub3A_126 : vector<256x2048xf32>
    %mul3A_128 = arith.mulf %sub3A_121, %sub3A_121 : vector<256x2048xf32>
    %mul3A_129 = arith.mulf %sub3A_124, %sub3A_124 : vector<256x2048xf32>
    %add3A_130 = arith.addf %mul3A_128, %mul3A_129 : vector<256x2048xf32>
    %mul3A_131 = arith.mulf %sub3A_127, %sub3A_127 : vector<256x2048xf32>
    %add3A_132 = arith.addf %add3A_130, %mul3A_131 : vector<256x2048xf32>
    %swap3A_133 = arith.constant 0 : index
    %swap3A_134 = arith.constant 8192 : index
    %swap3A_135 = vector.load %arg8[%swap3A_133, %swap3A_134] : memref<256x16384xf32, #tpu.memory_space<vmem>>, vector<256x2048xf32>
    tpu.vector_store %arg8[%swap3A_133, %swap3A_134], %add3A_132 {strides = array<i32>} : memref<256x16384xf32, #tpu.memory_space<vmem>>, vector<256x2048xf32>,
    %get3A_136 = arith.constant 0 : index
    %get3A_137 = arith.constant 10240 : index
    %get3A_138 = vector.load %arg4[%get3A_136, %get3A_137] : memref<1x16384xf32, #tpu.memory_space<vmem>>, vector<1x2048xf32>
    %get3A_139 = arith.constant 0 : index
    %get3A_140 = arith.constant 10240 : index
    %get3A_141 = vector.load %arg5[%get3A_139, %get3A_140] : memref<1x16384xf32, #tpu.memory_space<vmem>>, vector<1x2048xf32>
    %get3A_142 = arith.constant 0 : index
    %get3A_143 = arith.constant 10240 : index
    %get3A_144 = vector.load %arg6[%get3A_142, %get3A_143] : memref<1x16384xf32, #tpu.memory_space<vmem>>, vector<1x2048xf32>
    %sub3A_145 = vector.broadcast %slice3A : vector<256x1xf32> to vector<256x2048xf32>
    %sub3A_146 = vector.broadcast %get3A_138 : vector<1x2048xf32> to vector<256x2048xf32>
    %sub3A_147 = arith.subf %sub3A_145, %sub3A_146 : vector<256x2048xf32>
    %sub3A_148 = vector.broadcast %slice3A_5 : vector<256x1xf32> to vector<256x2048xf32>
    %sub3A_149 = vector.broadcast %get3A_141 : vector<1x2048xf32> to vector<256x2048xf32>
    %sub3A_150 = arith.subf %sub3A_148, %sub3A_149 : vector<256x2048xf32>
    %sub3A_151 = vector.broadcast %slice3A_9 : vector<256x1xf32> to vector<256x2048xf32>
    %sub3A_152 = vector.broadcast %get3A_144 : vector<1x2048xf32> to vector<256x2048xf32>
    %sub3A_153 = arith.subf %sub3A_151, %sub3A_152 : vector<256x2048xf32>
    %mul3A_154 = arith.mulf %sub3A_147, %sub3A_147 : vector<256x2048xf32>
    %mul3A_155 = arith.mulf %sub3A_150, %sub3A_150 : vector<256x2048xf32>
    %add3A_156 = arith.addf %mul3A_154, %mul3A_155 : vector<256x2048xf32>
    %mul3A_157 = arith.mulf %sub3A_153, %sub3A_153 : vector<256x2048xf32>
    %add3A_158 = arith.addf %add3A_156, %mul3A_157 : vector<256x2048xf32>
    %swap3A_159 = arith.constant 0 : index
    %swap3A_160 = arith.constant 10240 : index
    %swap3A_161 = vector.load %arg8[%swap3A_159, %swap3A_160] : memref<256x16384xf32, #tpu.memory_space<vmem>>, vector<256x2048xf32>
    tpu.vector_store %arg8[%swap3A_159, %swap3A_160], %add3A_158 {strides = array<i32>} : memref<256x16384xf32, #tpu.memory_space<vmem>>, vector<256x2048xf32>,
    %get3A_162 = arith.constant 0 : index
    %get3A_163 = arith.constant 12288 : index
    %get3A_164 = vector.load %arg4[%get3A_162, %get3A_163] : memref<1x16384xf32, #tpu.memory_space<vmem>>, vector<1x2048xf32>
    %get3A_165 = arith.constant 0 : index
    %get3A_166 = arith.constant 12288 : index
    %get3A_167 = vector.load %arg5[%get3A_165, %get3A_166] : memref<1x16384xf32, #tpu.memory_space<vmem>>, vector<1x2048xf32>
    %get3A_168 = arith.constant 0 : index
    %get3A_169 = arith.constant 12288 : index
    %get3A_170 = vector.load %arg6[%get3A_168, %get3A_169] : memref<1x16384xf32, #tpu.memory_space<vmem>>, vector<1x2048xf32>
    %sub3A_171 = vector.broadcast %slice3A : vector<256x1xf32> to vector<256x2048xf32>
    %sub3A_172 = vector.broadcast %get3A_164 : vector<1x2048xf32> to vector<256x2048xf32>
    %sub3A_173 = arith.subf %sub3A_171, %sub3A_172 : vector<256x2048xf32>
    %sub3A_174 = vector.broadcast %slice3A_5 : vector<256x1xf32> to vector<256x2048xf32>
    %sub3A_175 = vector.broadcast %get3A_167 : vector<1x2048xf32> to vector<256x2048xf32>
    %sub3A_176 = arith.subf %sub3A_174, %sub3A_175 : vector<256x2048xf32>
    %sub3A_177 = vector.broadcast %slice3A_9 : vector<256x1xf32> to vector<256x2048xf32>
    %sub3A_178 = vector.broadcast %get3A_170 : vector<1x2048xf32> to vector<256x2048xf32>
    %sub3A_179 = arith.subf %sub3A_177, %sub3A_178 : vector<256x2048xf32>
    %mul3A_180 = arith.mulf %sub3A_173, %sub3A_173 : vector<256x2048xf32>
    %mul3A_181 = arith.mulf %sub3A_176, %sub3A_176 : vector<256x2048xf32>
    %add3A_182 = arith.addf %mul3A_180, %mul3A_181 : vector<256x2048xf32>
    %mul3A_183 = arith.mulf %sub3A_179, %sub3A_179 : vector<256x2048xf32>
    %add3A_184 = arith.addf %add3A_182, %mul3A_183 : vector<256x2048xf32>
    %swap3A_185 = arith.constant 0 : index
    %swap3A_186 = arith.constant 12288 : index
    %swap3A_187 = vector.load %arg8[%swap3A_185, %swap3A_186] : memref<256x16384xf32, #tpu.memory_space<vmem>>, vector<256x2048xf32>
    tpu.vector_store %arg8[%swap3A_185, %swap3A_186], %add3A_184 {strides = array<i32>} : memref<256x16384xf32, #tpu.memory_space<vmem>>, vector<256x2048xf32>,
    %get3A_188 = arith.constant 0 : index
    %get3A_189 = arith.constant 14336 : index
    %get3A_190 = vector.load %arg4[%get3A_188, %get3A_189] : memref<1x16384xf32, #tpu.memory_space<vmem>>, vector<1x2048xf32>
    %get3A_191 = arith.constant 0 : index
    %get3A_192 = arith.constant 14336 : index
    %get3A_193 = vector.load %arg5[%get3A_191, %get3A_192] : memref<1x16384xf32, #tpu.memory_space<vmem>>, vector<1x2048xf32>
    %get3A_194 = arith.constant 0 : index
    %get3A_195 = arith.constant 14336 : index
    %get3A_196 = vector.load %arg6[%get3A_194, %get3A_195] : memref<1x16384xf32, #tpu.memory_space<vmem>>, vector<1x2048xf32>
    %sub3A_197 = vector.broadcast %slice3A : vector<256x1xf32> to vector<256x2048xf32>
    %sub3A_198 = vector.broadcast %get3A_190 : vector<1x2048xf32> to vector<256x2048xf32>
    %sub3A_199 = arith.subf %sub3A_197, %sub3A_198 : vector<256x2048xf32>
    %sub3A_200 = vector.broadcast %slice3A_5 : vector<256x1xf32> to vector<256x2048xf32>
    %sub3A_201 = vector.broadcast %get3A_193 : vector<1x2048xf32> to vector<256x2048xf32>
    %sub3A_202 = arith.subf %sub3A_200, %sub3A_201 : vector<256x2048xf32>
    %sub3A_203 = vector.broadcast %slice3A_9 : vector<256x1xf32> to vector<256x2048xf32>
    %sub3A_204 = vector.broadcast %get3A_196 : vector<1x2048xf32> to vector<256x2048xf32>
    %sub3A_205 = arith.subf %sub3A_203, %sub3A_204 : vector<256x2048xf32>
    %mul3A_206 = arith.mulf %sub3A_199, %sub3A_199 : vector<256x2048xf32>
    %mul3A_207 = arith.mulf %sub3A_202, %sub3A_202 : vector<256x2048xf32>
    %add3A_208 = arith.addf %mul3A_206, %mul3A_207 : vector<256x2048xf32>
    %mul3A_209 = arith.mulf %sub3A_205, %sub3A_205 : vector<256x2048xf32>
    %add3A_210 = arith.addf %add3A_208, %mul3A_209 : vector<256x2048xf32>
    %swap3A_211 = arith.constant 0 : index
    %swap3A_212 = arith.constant 14336 : index
    %swap3A_213 = vector.load %arg8[%swap3A_211, %swap3A_212] : memref<256x16384xf32, #tpu.memory_space<vmem>>, vector<256x2048xf32>
    tpu.vector_store %arg8[%swap3A_211, %swap3A_212], %add3A_210 {strides = array<i32>} : memref<256x16384xf32, #tpu.memory_space<vmem>>, vector<256x2048xf32>,
    %iota3A = tpu.iota {dimensions = array<i32: 1>} : vector<256x16xi32>
    %broadcast_in_dim3A = arith.constant 0 : i32
    %broadcast_in_dim3A_214 = vector.broadcast %broadcast_in_dim3A : i32 to vector<256x16xi32>
    %scan3A = arith.constant 0 : i32
    %scan3A_215 = arith.constant 16 : i32
    %scan3A_216 = arith.addi %scan3A, %scan3A_215 : i32
    %scan3A_217 = arith.constant 1 : i32
    %scan3A_218 = scf.for %scan3A_223 = %scan3A to %scan3A_216 step %scan3A_217 iter_args(%scan3A_224 = %broadcast_in_dim3A_214) -> (vector<256x16xi32>)  : i32 {
      %broadcast_in_dim3A_225 = arith.constant 0x7F800000 : f32
      %broadcast_in_dim3A_226 = vector.broadcast %broadcast_in_dim3A_225 : f32 to vector<256x1xf32>
      %get3A_227 = arith.constant 0 : index
      %get3A_228 = arith.constant 0 : index
      %get3A_229 = vector.load %arg8[%get3A_227, %get3A_228] : memref<256x16384xf32, #tpu.memory_space<vmem>>, vector<256x2048xf32>
      %reduce_min3A = arith.constant dense<0x7F800000> : vector<256xf32>
      %reduce_min3A_230 = vector.multi_reduction <minimumf>, %get3A_229, %reduce_min3A [1] : vector<256x2048xf32> to vector<256xf32>
      %broadcast_in_dim3A_231 = vector.shape_cast %reduce_min3A_230 : vector<256xf32> to vector<256x1xf32>
      %min3A = arith.minimumf %broadcast_in_dim3A_226, %broadcast_in_dim3A_231 : vector<256x1xf32>
      %get3A_232 = arith.constant 0 : index
      %get3A_233 = arith.constant 2048 : index
      %get3A_234 = vector.load %arg8[%get3A_232, %get3A_233] : memref<256x16384xf32, #tpu.memory_space<vmem>>, vector<256x2048xf32>
      %reduce_min3A_235 = arith.constant dense<0x7F800000> : vector<256xf32>
      %reduce_min3A_236 = vector.multi_reduction <minimumf>, %get3A_234, %reduce_min3A_235 [1] : vector<256x2048xf32> to vector<256xf32>
      %broadcast_in_dim3A_237 = vector.shape_cast %reduce_min3A_236 : vector<256xf32> to vector<256x1xf32>
      %min3A_238 = arith.minimumf %min3A, %broadcast_in_dim3A_237 : vector<256x1xf32>
      %get3A_239 = arith.constant 0 : index
      %get3A_240 = arith.constant 4096 : index
      %get3A_241 = vector.load %arg8[%get3A_239, %get3A_240] : memref<256x16384xf32, #tpu.memory_space<vmem>>, vector<256x2048xf32>
      %reduce_min3A_242 = arith.constant dense<0x7F800000> : vector<256xf32>
      %reduce_min3A_243 = vector.multi_reduction <minimumf>, %get3A_241, %reduce_min3A_242 [1] : vector<256x2048xf32> to vector<256xf32>
      %broadcast_in_dim3A_244 = vector.shape_cast %reduce_min3A_243 : vector<256xf32> to vector<256x1xf32>
      %min3A_245 = arith.minimumf %min3A_238, %broadcast_in_dim3A_244 : vector<256x1xf32>
      %get3A_246 = arith.constant 0 : index
      %get3A_247 = arith.constant 6144 : index
      %get3A_248 = vector.load %arg8[%get3A_246, %get3A_247] : memref<256x16384xf32, #tpu.memory_space<vmem>>, vector<256x2048xf32>
      %reduce_min3A_249 = arith.constant dense<0x7F800000> : vector<256xf32>
      %reduce_min3A_250 = vector.multi_reduction <minimumf>, %get3A_248, %reduce_min3A_249 [1] : vector<256x2048xf32> to vector<256xf32>
      %broadcast_in_dim3A_251 = vector.shape_cast %reduce_min3A_250 : vector<256xf32> to vector<256x1xf32>
      %min3A_252 = arith.minimumf %min3A_245, %broadcast_in_dim3A_251 : vector<256x1xf32>
      %get3A_253 = arith.constant 0 : index
      %get3A_254 = arith.constant 8192 : index
      %get3A_255 = vector.load %arg8[%get3A_253, %get3A_254] : memref<256x16384xf32, #tpu.memory_space<vmem>>, vector<256x2048xf32>
      %reduce_min3A_256 = arith.constant dense<0x7F800000> : vector<256xf32>
      %reduce_min3A_257 = vector.multi_reduction <minimumf>, %get3A_255, %reduce_min3A_256 [1] : vector<256x2048xf32> to vector<256xf32>
      %broadcast_in_dim3A_258 = vector.shape_cast %reduce_min3A_257 : vector<256xf32> to vector<256x1xf32>
      %min3A_259 = arith.minimumf %min3A_252, %broadcast_in_dim3A_258 : vector<256x1xf32>
      %get3A_260 = arith.constant 0 : index
      %get3A_261 = arith.constant 10240 : index
      %get3A_262 = vector.load %arg8[%get3A_260, %get3A_261] : memref<256x16384xf32, #tpu.memory_space<vmem>>, vector<256x2048xf32>
      %reduce_min3A_263 = arith.constant dense<0x7F800000> : vector<256xf32>
      %reduce_min3A_264 = vector.multi_reduction <minimumf>, %get3A_262, %reduce_min3A_263 [1] : vector<256x2048xf32> to vector<256xf32>
      %broadcast_in_dim3A_265 = vector.shape_cast %reduce_min3A_264 : vector<256xf32> to vector<256x1xf32>
      %min3A_266 = arith.minimumf %min3A_259, %broadcast_in_dim3A_265 : vector<256x1xf32>
      %get3A_267 = arith.constant 0 : index
      %get3A_268 = arith.constant 12288 : index
      %get3A_269 = vector.load %arg8[%get3A_267, %get3A_268] : memref<256x16384xf32, #tpu.memory_space<vmem>>, vector<256x2048xf32>
      %reduce_min3A_270 = arith.constant dense<0x7F800000> : vector<256xf32>
      %reduce_min3A_271 = vector.multi_reduction <minimumf>, %get3A_269, %reduce_min3A_270 [1] : vector<256x2048xf32> to vector<256xf32>
      %broadcast_in_dim3A_272 = vector.shape_cast %reduce_min3A_271 : vector<256xf32> to vector<256x1xf32>
      %min3A_273 = arith.minimumf %min3A_266, %broadcast_in_dim3A_272 : vector<256x1xf32>
      %get3A_274 = arith.constant 0 : index
      %get3A_275 = arith.constant 14336 : index
      %get3A_276 = vector.load %arg8[%get3A_274, %get3A_275] : memref<256x16384xf32, #tpu.memory_space<vmem>>, vector<256x2048xf32>
      %reduce_min3A_277 = arith.constant dense<0x7F800000> : vector<256xf32>
      %reduce_min3A_278 = vector.multi_reduction <minimumf>, %get3A_276, %reduce_min3A_277 [1] : vector<256x2048xf32> to vector<256xf32>
      %broadcast_in_dim3A_279 = vector.shape_cast %reduce_min3A_278 : vector<256xf32> to vector<256x1xf32>
      %min3A_280 = arith.minimumf %min3A_273, %broadcast_in_dim3A_279 : vector<256x1xf32>
      %broadcast_in_dim3A_281 = arith.constant 3.000000e+07 : f32
      %broadcast_in_dim3A_282 = vector.broadcast %broadcast_in_dim3A_281 : f32 to vector<256x1xf32>
      %iota3A_283 = tpu.iota {dimensions = array<i32: 1>} : vector<256x2048xi32>
      %add3A_284 = arith.constant 0 : i32
      %add3A_285 = vector.broadcast %add3A_284 : i32 to vector<256x2048xi32>
      %add3A_286 = arith.addi %iota3A_283, %add3A_285 : vector<256x2048xi32>
      %convert_element_type3A = arith.sitofp %add3A_286 : vector<256x2048xi32> to vector<256x2048xf32>
      %get3A_287 = arith.constant 0 : index
      %get3A_288 = arith.constant 0 : index
      %get3A_289 = vector.load %arg8[%get3A_287, %get3A_288] : memref<256x16384xf32, #tpu.memory_space<vmem>>, vector<256x2048xf32>
      %eq3A = vector.broadcast %min3A_280 : vector<256x1xf32> to vector<256x2048xf32>
      %eq3A_290 = arith.cmpf oeq, %get3A_289, %eq3A : vector<256x2048xf32>
      %jit3A = arith.constant 3.000000e+07 : f32
      %broadcast_in_dim3A_291 = vector.broadcast %jit3A : f32 to vector<256x2048xf32>
      %select_n3A = arith.select %eq3A_290, %convert_element_type3A, %broadcast_in_dim3A_291 : vector<256x2048xi1>, vector<256x2048xf32>
      %reduce_min3A_292 = arith.constant dense<0x7F800000> : vector<256xf32>
      %reduce_min3A_293 = vector.multi_reduction <minimumf>, %select_n3A, %reduce_min3A_292 [1] : vector<256x2048xf32> to vector<256xf32>
      %broadcast_in_dim3A_294 = vector.shape_cast %reduce_min3A_293 : vector<256xf32> to vector<256x1xf32>
      %min3A_295 = arith.minimumf %broadcast_in_dim3A_282, %broadcast_in_dim3A_294 : vector<256x1xf32>
      %iota3A_296 = tpu.iota {dimensions = array<i32: 1>} : vector<256x2048xi32>
      %add3A_297 = arith.constant 2048 : i32
      %add3A_298 = vector.broadcast %add3A_297 : i32 to vector<256x2048xi32>
      %add3A_299 = arith.addi %iota3A_296, %add3A_298 : vector<256x2048xi32>
      %convert_element_type3A_300 = arith.sitofp %add3A_299 : vector<256x2048xi32> to vector<256x2048xf32>
      %get3A_301 = arith.constant 0 : index
      %get3A_302 = arith.constant 2048 : index
      %get3A_303 = vector.load %arg8[%get3A_301, %get3A_302] : memref<256x16384xf32, #tpu.memory_space<vmem>>, vector<256x2048xf32>
      %eq3A_304 = vector.broadcast %min3A_280 : vector<256x1xf32> to vector<256x2048xf32>
      %eq3A_305 = arith.cmpf oeq, %get3A_303, %eq3A_304 : vector<256x2048xf32>
      %jit3A_306 = arith.constant 3.000000e+07 : f32
      %broadcast_in_dim3A_307 = vector.broadcast %jit3A_306 : f32 to vector<256x2048xf32>
      %select_n3A_308 = arith.select %eq3A_305, %convert_element_type3A_300, %broadcast_in_dim3A_307 : vector<256x2048xi1>, vector<256x2048xf32>
      %reduce_min3A_309 = arith.constant dense<0x7F800000> : vector<256xf32>
      %reduce_min3A_310 = vector.multi_reduction <minimumf>, %select_n3A_308, %reduce_min3A_309 [1] : vector<256x2048xf32> to vector<256xf32>
      %broadcast_in_dim3A_311 = vector.shape_cast %reduce_min3A_310 : vector<256xf32> to vector<256x1xf32>
      %min3A_312 = arith.minimumf %min3A_295, %broadcast_in_dim3A_311 : vector<256x1xf32>
      %iota3A_313 = tpu.iota {dimensions = array<i32: 1>} : vector<256x2048xi32>
      %add3A_314 = arith.constant 4096 : i32
      %add3A_315 = vector.broadcast %add3A_314 : i32 to vector<256x2048xi32>
      %add3A_316 = arith.addi %iota3A_313, %add3A_315 : vector<256x2048xi32>
      %convert_element_type3A_317 = arith.sitofp %add3A_316 : vector<256x2048xi32> to vector<256x2048xf32>
      %get3A_318 = arith.constant 0 : index
      %get3A_319 = arith.constant 4096 : index
      %get3A_320 = vector.load %arg8[%get3A_318, %get3A_319] : memref<256x16384xf32, #tpu.memory_space<vmem>>, vector<256x2048xf32>
      %eq3A_321 = vector.broadcast %min3A_280 : vector<256x1xf32> to vector<256x2048xf32>
      %eq3A_322 = arith.cmpf oeq, %get3A_320, %eq3A_321 : vector<256x2048xf32>
      %jit3A_323 = arith.constant 3.000000e+07 : f32
      %broadcast_in_dim3A_324 = vector.broadcast %jit3A_323 : f32 to vector<256x2048xf32>
      %select_n3A_325 = arith.select %eq3A_322, %convert_element_type3A_317, %broadcast_in_dim3A_324 : vector<256x2048xi1>, vector<256x2048xf32>
      %reduce_min3A_326 = arith.constant dense<0x7F800000> : vector<256xf32>
      %reduce_min3A_327 = vector.multi_reduction <minimumf>, %select_n3A_325, %reduce_min3A_326 [1] : vector<256x2048xf32> to vector<256xf32>
      %broadcast_in_dim3A_328 = vector.shape_cast %reduce_min3A_327 : vector<256xf32> to vector<256x1xf32>
      %min3A_329 = arith.minimumf %min3A_312, %broadcast_in_dim3A_328 : vector<256x1xf32>
      %iota3A_330 = tpu.iota {dimensions = array<i32: 1>} : vector<256x2048xi32>
      %add3A_331 = arith.constant 6144 : i32
      %add3A_332 = vector.broadcast %add3A_331 : i32 to vector<256x2048xi32>
      %add3A_333 = arith.addi %iota3A_330, %add3A_332 : vector<256x2048xi32>
      %convert_element_type3A_334 = arith.sitofp %add3A_333 : vector<256x2048xi32> to vector<256x2048xf32>
      %get3A_335 = arith.constant 0 : index
      %get3A_336 = arith.constant 6144 : index
      %get3A_337 = vector.load %arg8[%get3A_335, %get3A_336] : memref<256x16384xf32, #tpu.memory_space<vmem>>, vector<256x2048xf32>
      %eq3A_338 = vector.broadcast %min3A_280 : vector<256x1xf32> to vector<256x2048xf32>
      %eq3A_339 = arith.cmpf oeq, %get3A_337, %eq3A_338 : vector<256x2048xf32>
      %jit3A_340 = arith.constant 3.000000e+07 : f32
      %broadcast_in_dim3A_341 = vector.broadcast %jit3A_340 : f32 to vector<256x2048xf32>
      %select_n3A_342 = arith.select %eq3A_339, %convert_element_type3A_334, %broadcast_in_dim3A_341 : vector<256x2048xi1>, vector<256x2048xf32>
      %reduce_min3A_343 = arith.constant dense<0x7F800000> : vector<256xf32>
      %reduce_min3A_344 = vector.multi_reduction <minimumf>, %select_n3A_342, %reduce_min3A_343 [1] : vector<256x2048xf32> to vector<256xf32>
      %broadcast_in_dim3A_345 = vector.shape_cast %reduce_min3A_344 : vector<256xf32> to vector<256x1xf32>
      %min3A_346 = arith.minimumf %min3A_329, %broadcast_in_dim3A_345 : vector<256x1xf32>
      %iota3A_347 = tpu.iota {dimensions = array<i32: 1>} : vector<256x2048xi32>
      %add3A_348 = arith.constant 8192 : i32
      %add3A_349 = vector.broadcast %add3A_348 : i32 to vector<256x2048xi32>
      %add3A_350 = arith.addi %iota3A_347, %add3A_349 : vector<256x2048xi32>
      %convert_element_type3A_351 = arith.sitofp %add3A_350 : vector<256x2048xi32> to vector<256x2048xf32>
      %get3A_352 = arith.constant 0 : index
      %get3A_353 = arith.constant 8192 : index
      %get3A_354 = vector.load %arg8[%get3A_352, %get3A_353] : memref<256x16384xf32, #tpu.memory_space<vmem>>, vector<256x2048xf32>
      %eq3A_355 = vector.broadcast %min3A_280 : vector<256x1xf32> to vector<256x2048xf32>
      %eq3A_356 = arith.cmpf oeq, %get3A_354, %eq3A_355 : vector<256x2048xf32>
      %jit3A_357 = arith.constant 3.000000e+07 : f32
      %broadcast_in_dim3A_358 = vector.broadcast %jit3A_357 : f32 to vector<256x2048xf32>
      %select_n3A_359 = arith.select %eq3A_356, %convert_element_type3A_351, %broadcast_in_dim3A_358 : vector<256x2048xi1>, vector<256x2048xf32>
      %reduce_min3A_360 = arith.constant dense<0x7F800000> : vector<256xf32>
      %reduce_min3A_361 = vector.multi_reduction <minimumf>, %select_n3A_359, %reduce_min3A_360 [1] : vector<256x2048xf32> to vector<256xf32>
      %broadcast_in_dim3A_362 = vector.shape_cast %reduce_min3A_361 : vector<256xf32> to vector<256x1xf32>
      %min3A_363 = arith.minimumf %min3A_346, %broadcast_in_dim3A_362 : vector<256x1xf32>
      %iota3A_364 = tpu.iota {dimensions = array<i32: 1>} : vector<256x2048xi32>
      %add3A_365 = arith.constant 10240 : i32
      %add3A_366 = vector.broadcast %add3A_365 : i32 to vector<256x2048xi32>
      %add3A_367 = arith.addi %iota3A_364, %add3A_366 : vector<256x2048xi32>
      %convert_element_type3A_368 = arith.sitofp %add3A_367 : vector<256x2048xi32> to vector<256x2048xf32>
      %get3A_369 = arith.constant 0 : index
      %get3A_370 = arith.constant 10240 : index
      %get3A_371 = vector.load %arg8[%get3A_369, %get3A_370] : memref<256x16384xf32, #tpu.memory_space<vmem>>, vector<256x2048xf32>
      %eq3A_372 = vector.broadcast %min3A_280 : vector<256x1xf32> to vector<256x2048xf32>
      %eq3A_373 = arith.cmpf oeq, %get3A_371, %eq3A_372 : vector<256x2048xf32>
      %jit3A_374 = arith.constant 3.000000e+07 : f32
      %broadcast_in_dim3A_375 = vector.broadcast %jit3A_374 : f32 to vector<256x2048xf32>
      %select_n3A_376 = arith.select %eq3A_373, %convert_element_type3A_368, %broadcast_in_dim3A_375 : vector<256x2048xi1>, vector<256x2048xf32>
      %reduce_min3A_377 = arith.constant dense<0x7F800000> : vector<256xf32>
      %reduce_min3A_378 = vector.multi_reduction <minimumf>, %select_n3A_376, %reduce_min3A_377 [1] : vector<256x2048xf32> to vector<256xf32>
      %broadcast_in_dim3A_379 = vector.shape_cast %reduce_min3A_378 : vector<256xf32> to vector<256x1xf32>
      %min3A_380 = arith.minimumf %min3A_363, %broadcast_in_dim3A_379 : vector<256x1xf32>
      %iota3A_381 = tpu.iota {dimensions = array<i32: 1>} : vector<256x2048xi32>
      %add3A_382 = arith.constant 12288 : i32
      %add3A_383 = vector.broadcast %add3A_382 : i32 to vector<256x2048xi32>
      %add3A_384 = arith.addi %iota3A_381, %add3A_383 : vector<256x2048xi32>
      %convert_element_type3A_385 = arith.sitofp %add3A_384 : vector<256x2048xi32> to vector<256x2048xf32>
      %get3A_386 = arith.constant 0 : index
      %get3A_387 = arith.constant 12288 : index
      %get3A_388 = vector.load %arg8[%get3A_386, %get3A_387] : memref<256x16384xf32, #tpu.memory_space<vmem>>, vector<256x2048xf32>
      %eq3A_389 = vector.broadcast %min3A_280 : vector<256x1xf32> to vector<256x2048xf32>
      %eq3A_390 = arith.cmpf oeq, %get3A_388, %eq3A_389 : vector<256x2048xf32>
      %jit3A_391 = arith.constant 3.000000e+07 : f32
      %broadcast_in_dim3A_392 = vector.broadcast %jit3A_391 : f32 to vector<256x2048xf32>
      %select_n3A_393 = arith.select %eq3A_390, %convert_element_type3A_385, %broadcast_in_dim3A_392 : vector<256x2048xi1>, vector<256x2048xf32>
      %reduce_min3A_394 = arith.constant dense<0x7F800000> : vector<256xf32>
      %reduce_min3A_395 = vector.multi_reduction <minimumf>, %select_n3A_393, %reduce_min3A_394 [1] : vector<256x2048xf32> to vector<256xf32>
      %broadcast_in_dim3A_396 = vector.shape_cast %reduce_min3A_395 : vector<256xf32> to vector<256x1xf32>
      %min3A_397 = arith.minimumf %min3A_380, %broadcast_in_dim3A_396 : vector<256x1xf32>
      %iota3A_398 = tpu.iota {dimensions = array<i32: 1>} : vector<256x2048xi32>
      %add3A_399 = arith.constant 14336 : i32
      %add3A_400 = vector.broadcast %add3A_399 : i32 to vector<256x2048xi32>
      %add3A_401 = arith.addi %iota3A_398, %add3A_400 : vector<256x2048xi32>
      %convert_element_type3A_402 = arith.sitofp %add3A_401 : vector<256x2048xi32> to vector<256x2048xf32>
      %get3A_403 = arith.constant 0 : index
      %get3A_404 = arith.constant 14336 : index
      %get3A_405 = vector.load %arg8[%get3A_403, %get3A_404] : memref<256x16384xf32, #tpu.memory_space<vmem>>, vector<256x2048xf32>
      %eq3A_406 = vector.broadcast %min3A_280 : vector<256x1xf32> to vector<256x2048xf32>
      %eq3A_407 = arith.cmpf oeq, %get3A_405, %eq3A_406 : vector<256x2048xf32>
      %jit3A_408 = arith.constant 3.000000e+07 : f32
      %broadcast_in_dim3A_409 = vector.broadcast %jit3A_408 : f32 to vector<256x2048xf32>
      %select_n3A_410 = arith.select %eq3A_407, %convert_element_type3A_402, %broadcast_in_dim3A_409 : vector<256x2048xi1>, vector<256x2048xf32>
      %reduce_min3A_411 = arith.constant dense<0x7F800000> : vector<256xf32>
      %reduce_min3A_412 = vector.multi_reduction <minimumf>, %select_n3A_410, %reduce_min3A_411 [1] : vector<256x2048xf32> to vector<256xf32>
      %broadcast_in_dim3A_413 = vector.shape_cast %reduce_min3A_412 : vector<256xf32> to vector<256x1xf32>
      %min3A_414 = arith.minimumf %min3A_397, %broadcast_in_dim3A_413 : vector<256x1xf32>
      %iota3A_415 = tpu.iota {dimensions = array<i32: 1>} : vector<256x2048xi32>
      %add3A_416 = arith.constant 0 : i32
      %add3A_417 = vector.broadcast %add3A_416 : i32 to vector<256x2048xi32>
      %add3A_418 = arith.addi %iota3A_415, %add3A_417 : vector<256x2048xi32>
      %convert_element_type3A_419 = arith.sitofp %add3A_418 : vector<256x2048xi32> to vector<256x2048xf32>
      %eq3A_420 = vector.broadcast %min3A_414 : vector<256x1xf32> to vector<256x2048xf32>
      %eq3A_421 = arith.cmpf oeq, %convert_element_type3A_419, %eq3A_420 : vector<256x2048xf32>
      %get3A_422 = arith.constant 0 : index
      %get3A_423 = arith.constant 0 : index
      %get3A_424 = vector.load %arg8[%get3A_422, %get3A_423] : memref<256x16384xf32, #tpu.memory_space<vmem>>, vector<256x2048xf32>
      %jit3A_425 = arith.constant 0x7F800000 : f32
      %broadcast_in_dim3A_426 = vector.broadcast %jit3A_425 : f32 to vector<256x2048xf32>
      %select_n3A_427 = arith.select %eq3A_421, %broadcast_in_dim3A_426, %get3A_424 : vector<256x2048xi1>, vector<256x2048xf32>
      %swap3A_428 = arith.constant 0 : index
      %swap3A_429 = arith.constant 0 : index
      %swap3A_430 = vector.load %arg8[%swap3A_428, %swap3A_429] : memref<256x16384xf32, #tpu.memory_space<vmem>>, vector<256x2048xf32>
      tpu.vector_store %arg8[%swap3A_428, %swap3A_429], %select_n3A_427 {strides = array<i32>} : memref<256x16384xf32, #tpu.memory_space<vmem>>, vector<256x2048xf32>,
      %iota3A_431 = tpu.iota {dimensions = array<i32: 1>} : vector<256x2048xi32>
      %add3A_432 = arith.constant 2048 : i32
      %add3A_433 = vector.broadcast %add3A_432 : i32 to vector<256x2048xi32>
      %add3A_434 = arith.addi %iota3A_431, %add3A_433 : vector<256x2048xi32>
      %convert_element_type3A_435 = arith.sitofp %add3A_434 : vector<256x2048xi32> to vector<256x2048xf32>
      %eq3A_436 = vector.broadcast %min3A_414 : vector<256x1xf32> to vector<256x2048xf32>
      %eq3A_437 = arith.cmpf oeq, %convert_element_type3A_435, %eq3A_436 : vector<256x2048xf32>
      %get3A_438 = arith.constant 0 : index
      %get3A_439 = arith.constant 2048 : index
      %get3A_440 = vector.load %arg8[%get3A_438, %get3A_439] : memref<256x16384xf32, #tpu.memory_space<vmem>>, vector<256x2048xf32>
      %jit3A_441 = arith.constant 0x7F800000 : f32
      %broadcast_in_dim3A_442 = vector.broadcast %jit3A_441 : f32 to vector<256x2048xf32>
      %select_n3A_443 = arith.select %eq3A_437, %broadcast_in_dim3A_442, %get3A_440 : vector<256x2048xi1>, vector<256x2048xf32>
      %swap3A_444 = arith.constant 0 : index
      %swap3A_445 = arith.constant 2048 : index
      %swap3A_446 = vector.load %arg8[%swap3A_444, %swap3A_445] : memref<256x16384xf32, #tpu.memory_space<vmem>>, vector<256x2048xf32>
      tpu.vector_store %arg8[%swap3A_444, %swap3A_445], %select_n3A_443 {strides = array<i32>} : memref<256x16384xf32, #tpu.memory_space<vmem>>, vector<256x2048xf32>,
      %iota3A_447 = tpu.iota {dimensions = array<i32: 1>} : vector<256x2048xi32>
      %add3A_448 = arith.constant 4096 : i32
      %add3A_449 = vector.broadcast %add3A_448 : i32 to vector<256x2048xi32>
      %add3A_450 = arith.addi %iota3A_447, %add3A_449 : vector<256x2048xi32>
      %convert_element_type3A_451 = arith.sitofp %add3A_450 : vector<256x2048xi32> to vector<256x2048xf32>
      %eq3A_452 = vector.broadcast %min3A_414 : vector<256x1xf32> to vector<256x2048xf32>
      %eq3A_453 = arith.cmpf oeq, %convert_element_type3A_451, %eq3A_452 : vector<256x2048xf32>
      %get3A_454 = arith.constant 0 : index
      %get3A_455 = arith.constant 4096 : index
      %get3A_456 = vector.load %arg8[%get3A_454, %get3A_455] : memref<256x16384xf32, #tpu.memory_space<vmem>>, vector<256x2048xf32>
      %jit3A_457 = arith.constant 0x7F800000 : f32
      %broadcast_in_dim3A_458 = vector.broadcast %jit3A_457 : f32 to vector<256x2048xf32>
      %select_n3A_459 = arith.select %eq3A_453, %broadcast_in_dim3A_458, %get3A_456 : vector<256x2048xi1>, vector<256x2048xf32>
      %swap3A_460 = arith.constant 0 : index
      %swap3A_461 = arith.constant 4096 : index
      %swap3A_462 = vector.load %arg8[%swap3A_460, %swap3A_461] : memref<256x16384xf32, #tpu.memory_space<vmem>>, vector<256x2048xf32>
      tpu.vector_store %arg8[%swap3A_460, %swap3A_461], %select_n3A_459 {strides = array<i32>} : memref<256x16384xf32, #tpu.memory_space<vmem>>, vector<256x2048xf32>,
      %iota3A_463 = tpu.iota {dimensions = array<i32: 1>} : vector<256x2048xi32>
      %add3A_464 = arith.constant 6144 : i32
      %add3A_465 = vector.broadcast %add3A_464 : i32 to vector<256x2048xi32>
      %add3A_466 = arith.addi %iota3A_463, %add3A_465 : vector<256x2048xi32>
      %convert_element_type3A_467 = arith.sitofp %add3A_466 : vector<256x2048xi32> to vector<256x2048xf32>
      %eq3A_468 = vector.broadcast %min3A_414 : vector<256x1xf32> to vector<256x2048xf32>
      %eq3A_469 = arith.cmpf oeq, %convert_element_type3A_467, %eq3A_468 : vector<256x2048xf32>
      %get3A_470 = arith.constant 0 : index
      %get3A_471 = arith.constant 6144 : index
      %get3A_472 = vector.load %arg8[%get3A_470, %get3A_471] : memref<256x16384xf32, #tpu.memory_space<vmem>>, vector<256x2048xf32>
      %jit3A_473 = arith.constant 0x7F800000 : f32
      %broadcast_in_dim3A_474 = vector.broadcast %jit3A_473 : f32 to vector<256x2048xf32>
      %select_n3A_475 = arith.select %eq3A_469, %broadcast_in_dim3A_474, %get3A_472 : vector<256x2048xi1>, vector<256x2048xf32>
      %swap3A_476 = arith.constant 0 : index
      %swap3A_477 = arith.constant 6144 : index
      %swap3A_478 = vector.load %arg8[%swap3A_476, %swap3A_477] : memref<256x16384xf32, #tpu.memory_space<vmem>>, vector<256x2048xf32>
      tpu.vector_store %arg8[%swap3A_476, %swap3A_477], %select_n3A_475 {strides = array<i32>} : memref<256x16384xf32, #tpu.memory_space<vmem>>, vector<256x2048xf32>,
      %iota3A_479 = tpu.iota {dimensions = array<i32: 1>} : vector<256x2048xi32>
      %add3A_480 = arith.constant 8192 : i32
      %add3A_481 = vector.broadcast %add3A_480 : i32 to vector<256x2048xi32>
      %add3A_482 = arith.addi %iota3A_479, %add3A_481 : vector<256x2048xi32>
      %convert_element_type3A_483 = arith.sitofp %add3A_482 : vector<256x2048xi32> to vector<256x2048xf32>
      %eq3A_484 = vector.broadcast %min3A_414 : vector<256x1xf32> to vector<256x2048xf32>
      %eq3A_485 = arith.cmpf oeq, %convert_element_type3A_483, %eq3A_484 : vector<256x2048xf32>
      %get3A_486 = arith.constant 0 : index
      %get3A_487 = arith.constant 8192 : index
      %get3A_488 = vector.load %arg8[%get3A_486, %get3A_487] : memref<256x16384xf32, #tpu.memory_space<vmem>>, vector<256x2048xf32>
      %jit3A_489 = arith.constant 0x7F800000 : f32
      %broadcast_in_dim3A_490 = vector.broadcast %jit3A_489 : f32 to vector<256x2048xf32>
      %select_n3A_491 = arith.select %eq3A_485, %broadcast_in_dim3A_490, %get3A_488 : vector<256x2048xi1>, vector<256x2048xf32>
      %swap3A_492 = arith.constant 0 : index
      %swap3A_493 = arith.constant 8192 : index
      %swap3A_494 = vector.load %arg8[%swap3A_492, %swap3A_493] : memref<256x16384xf32, #tpu.memory_space<vmem>>, vector<256x2048xf32>
      tpu.vector_store %arg8[%swap3A_492, %swap3A_493], %select_n3A_491 {strides = array<i32>} : memref<256x16384xf32, #tpu.memory_space<vmem>>, vector<256x2048xf32>,
      %iota3A_495 = tpu.iota {dimensions = array<i32: 1>} : vector<256x2048xi32>
      %add3A_496 = arith.constant 10240 : i32
      %add3A_497 = vector.broadcast %add3A_496 : i32 to vector<256x2048xi32>
      %add3A_498 = arith.addi %iota3A_495, %add3A_497 : vector<256x2048xi32>
      %convert_element_type3A_499 = arith.sitofp %add3A_498 : vector<256x2048xi32> to vector<256x2048xf32>
      %eq3A_500 = vector.broadcast %min3A_414 : vector<256x1xf32> to vector<256x2048xf32>
      %eq3A_501 = arith.cmpf oeq, %convert_element_type3A_499, %eq3A_500 : vector<256x2048xf32>
      %get3A_502 = arith.constant 0 : index
      %get3A_503 = arith.constant 10240 : index
      %get3A_504 = vector.load %arg8[%get3A_502, %get3A_503] : memref<256x16384xf32, #tpu.memory_space<vmem>>, vector<256x2048xf32>
      %jit3A_505 = arith.constant 0x7F800000 : f32
      %broadcast_in_dim3A_506 = vector.broadcast %jit3A_505 : f32 to vector<256x2048xf32>
      %select_n3A_507 = arith.select %eq3A_501, %broadcast_in_dim3A_506, %get3A_504 : vector<256x2048xi1>, vector<256x2048xf32>
      %swap3A_508 = arith.constant 0 : index
      %swap3A_509 = arith.constant 10240 : index
      %swap3A_510 = vector.load %arg8[%swap3A_508, %swap3A_509] : memref<256x16384xf32, #tpu.memory_space<vmem>>, vector<256x2048xf32>
      tpu.vector_store %arg8[%swap3A_508, %swap3A_509], %select_n3A_507 {strides = array<i32>} : memref<256x16384xf32, #tpu.memory_space<vmem>>, vector<256x2048xf32>,
      %iota3A_511 = tpu.iota {dimensions = array<i32: 1>} : vector<256x2048xi32>
      %add3A_512 = arith.constant 12288 : i32
      %add3A_513 = vector.broadcast %add3A_512 : i32 to vector<256x2048xi32>
      %add3A_514 = arith.addi %iota3A_511, %add3A_513 : vector<256x2048xi32>
      %convert_element_type3A_515 = arith.sitofp %add3A_514 : vector<256x2048xi32> to vector<256x2048xf32>
      %eq3A_516 = vector.broadcast %min3A_414 : vector<256x1xf32> to vector<256x2048xf32>
      %eq3A_517 = arith.cmpf oeq, %convert_element_type3A_515, %eq3A_516 : vector<256x2048xf32>
      %get3A_518 = arith.constant 0 : index
      %get3A_519 = arith.constant 12288 : index
      %get3A_520 = vector.load %arg8[%get3A_518, %get3A_519] : memref<256x16384xf32, #tpu.memory_space<vmem>>, vector<256x2048xf32>
      %jit3A_521 = arith.constant 0x7F800000 : f32
      %broadcast_in_dim3A_522 = vector.broadcast %jit3A_521 : f32 to vector<256x2048xf32>
      %select_n3A_523 = arith.select %eq3A_517, %broadcast_in_dim3A_522, %get3A_520 : vector<256x2048xi1>, vector<256x2048xf32>
      %swap3A_524 = arith.constant 0 : index
      %swap3A_525 = arith.constant 12288 : index
      %swap3A_526 = vector.load %arg8[%swap3A_524, %swap3A_525] : memref<256x16384xf32, #tpu.memory_space<vmem>>, vector<256x2048xf32>
      tpu.vector_store %arg8[%swap3A_524, %swap3A_525], %select_n3A_523 {strides = array<i32>} : memref<256x16384xf32, #tpu.memory_space<vmem>>, vector<256x2048xf32>,
      %iota3A_527 = tpu.iota {dimensions = array<i32: 1>} : vector<256x2048xi32>
      %add3A_528 = arith.constant 14336 : i32
      %add3A_529 = vector.broadcast %add3A_528 : i32 to vector<256x2048xi32>
      %add3A_530 = arith.addi %iota3A_527, %add3A_529 : vector<256x2048xi32>
      %convert_element_type3A_531 = arith.sitofp %add3A_530 : vector<256x2048xi32> to vector<256x2048xf32>
      %eq3A_532 = vector.broadcast %min3A_414 : vector<256x1xf32> to vector<256x2048xf32>
      %eq3A_533 = arith.cmpf oeq, %convert_element_type3A_531, %eq3A_532 : vector<256x2048xf32>
      %get3A_534 = arith.constant 0 : index
      %get3A_535 = arith.constant 14336 : index
      %get3A_536 = vector.load %arg8[%get3A_534, %get3A_535] : memref<256x16384xf32, #tpu.memory_space<vmem>>, vector<256x2048xf32>
      %jit3A_537 = arith.constant 0x7F800000 : f32
      %broadcast_in_dim3A_538 = vector.broadcast %jit3A_537 : f32 to vector<256x2048xf32>
      %select_n3A_539 = arith.select %eq3A_533, %broadcast_in_dim3A_538, %get3A_536 : vector<256x2048xi1>, vector<256x2048xf32>
      %swap3A_540 = arith.constant 0 : index
      %swap3A_541 = arith.constant 14336 : index
      %swap3A_542 = vector.load %arg8[%swap3A_540, %swap3A_541] : memref<256x16384xf32, #tpu.memory_space<vmem>>, vector<256x2048xf32>
      tpu.vector_store %arg8[%swap3A_540, %swap3A_541], %select_n3A_539 {strides = array<i32>} : memref<256x16384xf32, #tpu.memory_space<vmem>>, vector<256x2048xf32>,
      %eq3A_543 = vector.broadcast %scan3A_223 : i32 to vector<256x16xi32>
      %eq3A_544 = arith.cmpi eq, %iota3A, %eq3A_543 : vector<256x16xi32>
      %convert_element_type3A_545 = arith.fptosi %min3A_414 : vector<256x1xf32> to vector<256x1xi32>
      %broadcast_in_dim3A_546 = vector.shape_cast %convert_element_type3A_545 : vector<256x1xi32> to vector<256x1xi32>
      %broadcast_in_dim3A_547 = vector.broadcast %broadcast_in_dim3A_546 : vector<256x1xi32> to vector<256x16xi32>
      %select_n3A_548 = arith.select %eq3A_544, %broadcast_in_dim3A_547, %scan3A_224 : vector<256x16xi1>, vector<256x16xi32>
      scf.yield %select_n3A_548 : vector<256x16xi32>
    }
    %scan3A_219 = arith.constant 16 : i32
    %swap3A_220 = arith.constant 0 : index
    %swap3A_221 = arith.constant 0 : index
    %swap3A_222 = vector.load %arg7[%swap3A_220, %swap3A_221] : memref<256x16xi32, #tpu.memory_space<vmem>>, vector<256x16xi32>
    tpu.vector_store %arg7[%swap3A_220, %swap3A_221], %scan3A_218 {strides = array<i32>} : memref<256x16xi32, #tpu.memory_space<vmem>>, vector<256x16xi32>,
    return
  }
  func.func @transform_0(%arg0: i32) -> (i32, i32) {
    %c0_i32 = arith.constant 0 : i32
    %c0_i32_0 = arith.constant 0 : i32
    return %arg0, %c0_i32 : i32, i32
  }
  func.func @transform_1(%arg0: i32) -> (i32, i32) {
    %c0_i32 = arith.constant 0 : i32
    %c0_i32_0 = arith.constant 0 : i32
    return %arg0, %c0_i32 : i32, i32
  }
  func.func @transform_2(%arg0: i32) -> (i32, i32) {
    %c0_i32 = arith.constant 0 : i32
    %c0_i32_0 = arith.constant 0 : i32
    return %arg0, %c0_i32 : i32, i32
  }
  func.func @transform_3(%arg0: i32) -> (i32, i32) {
    %c0_i32 = arith.constant 0 : i32
    %c0_i32_0 = arith.constant 0 : i32
    %c0_i32_1 = arith.constant 0 : i32
    return %c0_i32, %c0_i32_0 : i32, i32
  }
  func.func @transform_4(%arg0: i32) -> (i32, i32) {
    %c0_i32 = arith.constant 0 : i32
    %c0_i32_0 = arith.constant 0 : i32
    %c0_i32_1 = arith.constant 0 : i32
    return %c0_i32, %c0_i32_0 : i32, i32
  }
  func.func @transform_5(%arg0: i32) -> (i32, i32) {
    %c0_i32 = arith.constant 0 : i32
    %c0_i32_0 = arith.constant 0 : i32
    %c0_i32_1 = arith.constant 0 : i32
    return %c0_i32, %c0_i32_0 : i32, i32
  }
  func.func @transform_6(%arg0: i32) -> (i32, i32) {
    %c0_i32 = arith.constant 0 : i32
    %c0_i32_0 = arith.constant 0 : i32
    return %arg0, %c0_i32 : i32, i32
  }
}

module attributes {stable_mosaic.version = 14 : i64} {
  func.func @_mm_body(%arg0: i32, %arg1: memref<2048x256xf32, #tpu.memory_space<vmem>>, %arg2: memref<256x512xf32, #tpu.memory_space<vmem>>, %arg3: memref<1x512xf32, #tpu.memory_space<vmem>>, %arg4: memref<2048x512xf32, #tpu.memory_space<vmem>>, %arg5: memref<1x1x512xf32, #tpu.memory_space<vmem>>, %arg6: memref<1x1x512xf32, #tpu.memory_space<vmem>>) attributes {dimension_semantics = [#tpu.dimension_semantics<arbitrary>], iteration_bounds = array<i64: 8>, scalar_prefetch = 0 : i64, scratch_operands = 0 : i64, tpu.core_type = #tpu.core_type<tc>, window_params = [{transform_indices = @transform_0, window_bounds = array<i64: 2048, 256>}, {pipeline_mode = #tpu.pipeline_mode<synchronous>, transform_indices = @transform_1, window_bounds = array<i64: 256, 512>}, {pipeline_mode = #tpu.pipeline_mode<synchronous>, transform_indices = @transform_2, window_bounds = array<i64: 1, 512>}, {transform_indices = @transform_3, window_bounds = array<i64: 2048, 512>}, {transform_indices = @transform_4, window_bounds = array<i64: 1, 1, 512>}, {transform_indices = @transform_5, window_bounds = array<i64: 1, 1, 512>}]} {
    %get3A = arith.constant 0 : index
    %get3A_0 = arith.constant 0 : index
    %get3A_1 = vector.load %arg1[%get3A, %get3A_0] : memref<2048x256xf32, #tpu.memory_space<vmem>>, vector<2048x256xf32>
    %convert_element_type3A = arith.truncf %get3A_1 : vector<2048x256xf32> to vector<2048x256xbf16>
    %get3A_2 = arith.constant 0 : index
    %get3A_3 = arith.constant 0 : index
    %get3A_4 = vector.load %arg2[%get3A_2, %get3A_3] : memref<256x512xf32, #tpu.memory_space<vmem>>, vector<256x512xf32>
    %convert_element_type3A_5 = arith.truncf %get3A_4 : vector<256x512xf32> to vector<256x512xbf16>
    %dot_general3A = arith.constant dense<0.000000e+00> : vector<2048x512xf32>
    %dot_general3A_6 = tpu.matmul %convert_element_type3A, %convert_element_type3A_5, %dot_general3A {dimension_numbers = #tpu.dot_dimension_numbers<[1], [0], [0], [1], [0, 0, 1, 1], [], []>, transpose_lhs_hint = false} : vector<2048x256xbf16>, vector<256x512xbf16>, vector<2048x512xf32> -> vector<2048x512xf32>
    %get3A_7 = arith.constant 0 : index
    %get3A_8 = arith.constant 0 : index
    %get3A_9 = vector.load %arg3[%get3A_7, %get3A_8] : memref<1x512xf32, #tpu.memory_space<vmem>>, vector<1x512xf32>
    %add3A = vector.broadcast %get3A_9 : vector<1x512xf32> to vector<2048x512xf32>
    %add3A_10 = arith.addf %dot_general3A_6, %add3A : vector<2048x512xf32>
    %swap3A = arith.constant 0 : index
    %swap3A_11 = arith.constant 0 : index
    %swap3A_12 = vector.load %arg4[%swap3A, %swap3A_11] : memref<2048x512xf32, #tpu.memory_space<vmem>>, vector<2048x512xf32>
    tpu.vector_store %arg4[%swap3A, %swap3A_11], %add3A_10 {strides = array<i32>} : memref<2048x512xf32, #tpu.memory_space<vmem>>, vector<2048x512xf32>,
    %reduce_sum3A = arith.constant dense<0.000000e+00> : vector<512xf32>
    %reduce_sum3A_13 = vector.multi_reduction <add>, %add3A_10, %reduce_sum3A [0] : vector<2048x512xf32> to vector<512xf32>
    %broadcast_in_dim3A = vector.shape_cast %reduce_sum3A_13 : vector<512xf32> to vector<1x512xf32>
    %broadcast_in_dim3A_14 = vector.shape_cast %broadcast_in_dim3A : vector<1x512xf32> to vector<1x1x512xf32>
    %swap3A_15 = arith.constant 0 : index
    %swap3A_16 = arith.constant 0 : index
    %swap3A_17 = arith.constant 0 : index
    %swap3A_18 = vector.load %arg5[%swap3A_15, %swap3A_16, %swap3A_17] : memref<1x1x512xf32, #tpu.memory_space<vmem>>, vector<1x1x512xf32>
    tpu.vector_store %arg5[%swap3A_15, %swap3A_16, %swap3A_17], %broadcast_in_dim3A_14 {strides = array<i32>} : memref<1x1x512xf32, #tpu.memory_space<vmem>>, vector<1x1x512xf32>,
    %mul3A = arith.mulf %add3A_10, %add3A_10 : vector<2048x512xf32>
    %reduce_sum3A_19 = arith.constant dense<0.000000e+00> : vector<512xf32>
    %reduce_sum3A_20 = vector.multi_reduction <add>, %mul3A, %reduce_sum3A_19 [0] : vector<2048x512xf32> to vector<512xf32>
    %broadcast_in_dim3A_21 = vector.shape_cast %reduce_sum3A_20 : vector<512xf32> to vector<1x512xf32>
    %broadcast_in_dim3A_22 = vector.shape_cast %broadcast_in_dim3A_21 : vector<1x512xf32> to vector<1x1x512xf32>
    %swap3A_23 = arith.constant 0 : index
    %swap3A_24 = arith.constant 0 : index
    %swap3A_25 = arith.constant 0 : index
    %swap3A_26 = vector.load %arg6[%swap3A_23, %swap3A_24, %swap3A_25] : memref<1x1x512xf32, #tpu.memory_space<vmem>>, vector<1x1x512xf32>
    tpu.vector_store %arg6[%swap3A_23, %swap3A_24, %swap3A_25], %broadcast_in_dim3A_22 {strides = array<i32>} : memref<1x1x512xf32, #tpu.memory_space<vmem>>, vector<1x1x512xf32>,
    return
  }
  func.func @transform_0(%arg0: i32) -> (i32, i32) {
    %c0_i32 = arith.constant 0 : i32
    %c0_i32_0 = arith.constant 0 : i32
    return %arg0, %c0_i32 : i32, i32
  }
  func.func @transform_1(%arg0: i32) -> (i32, i32) {
    %c0_i32 = arith.constant 0 : i32
    %c0_i32_0 = arith.constant 0 : i32
    %c0_i32_1 = arith.constant 0 : i32
    return %c0_i32, %c0_i32_0 : i32, i32
  }
  func.func @transform_2(%arg0: i32) -> (i32, i32) {
    %c0_i32 = arith.constant 0 : i32
    %c0_i32_0 = arith.constant 0 : i32
    %c0_i32_1 = arith.constant 0 : i32
    return %c0_i32, %c0_i32_0 : i32, i32
  }
  func.func @transform_3(%arg0: i32) -> (i32, i32) {
    %c0_i32 = arith.constant 0 : i32
    %c0_i32_0 = arith.constant 0 : i32
    return %arg0, %c0_i32 : i32, i32
  }
  func.func @transform_4(%arg0: i32) -> (i32, i32, i32) {
    %c0_i32 = arith.constant 0 : i32
    %c0_i32_0 = arith.constant 0 : i32
    %c0_i32_1 = arith.constant 0 : i32
    return %arg0, %c0_i32, %c0_i32_0 : i32, i32, i32
  }
  func.func @transform_5(%arg0: i32) -> (i32, i32, i32) {
    %c0_i32 = arith.constant 0 : i32
    %c0_i32_0 = arith.constant 0 : i32
    %c0_i32_1 = arith.constant 0 : i32
    return %arg0, %c0_i32, %c0_i32_0 : i32, i32, i32
  }
}

</mosaic_0001>

<sc_bundles>
// kernel: gather_offload_async_start
scs
__scs_entry_jumppad:
0x0: {  	(pc) =	sbr.rel $0x88, $3  }
0x1: {  	(tag) =	ssettag $0x0;
	lr =	simm.s32 $0x1  }
0x2: {  	[smem:$0x3F9A] =	sst lr;
	_ =	strace $0xD0000000  }
0x3: {  	_ = 	snop  }
0x4: {  	_ = 	snop  }
0x5: {  	_ = 	snop  }
0x6: {  	_ = 	snop  }
0x7: {  	_ = 	snop  }
__scs_overlays_trampoline_lowered:
0x8: {  	[smem:$0x3FA9] =	sst s0  }
0x9: {  	[smem:$0x3FAA] =	sst s1  }
0xa: {  	[smem:$0x3FAB] =	sst s2  }
0xb: {  	[smem:$0x3FAC] =	sst s3  }
0xc: {  	[smem:$0x3FAD] =	sst s4  }
0xd: {  	[smem:$0x3FAE] =	sst s5  }
0xe: {  	[smem:$0x3FAF] =	sst s6  }
0xf: {  	[smem:$0x3FB0] =	sst s7  }
0x10: {  	[smem:$0x3FB1] =	sst s8  }
0x11: {  	[smem:$0x3FB2] =	sst s9;
	s0 =	simm.s32 @!p0 $0x0  }
0x12: {  	s1 =	sld [smem:$0x3F98];
	s0 =	simm.s32 @p0 $0x1  }
0x13: {  	[smem:$0x3FB3] =	sst s0;
	s0 =	simm.s32 @!p1 $0x0  }
0x14: {  	s2 =	sld [smem:$0x3F97];
	s0 =	simm.s32 @p1 $0x1  }
0x15: {  	[smem:$0x3FB4] =	sst s0;
	s0 =	simm.s32 @!p2 $0x0  }
0x16: {  	s3 =	sld [smem:$0x3FDB];
	s0 =	simm.s32 @p2 $0x1  }
0x17: {  	s4 =	simm.s32 $0x1BF5;
	[smem:$0x3FB6] =	sst s0  }
0x18: {  	s0 =	sld [smem:$0x3F99];
	_ =	swait.ge [sflag:s4], $0x0  }
0x19: {  	s7 =	sld [smem:$0x3F9A]  }
0x1a: {  	s8 =	sadd.s32 $0xFFFFE003, lr  }
0x1b: {  	s9 =	sadd.s32 $0xFFFFFEF7, lr;
	s5 =	simm.s32 $0xFFFFFFFF;
	p2 =	slt.u32 s8, $0xFFFFF086  }
0x1c: {  	p1 =	slt.u32 s9, $0xF7A;
	s5 =	simm.s32 @!p2 $0x0  }
0x1d: {  	s5 =	simm.s32 @p1 $0x1;
	p0 =	seq.s32 s7, s2  }
0x1e: {  	s7 =	smul.u32 @!p0 $0xF7A, s2;
	p2 =	seq.s32 @!p0 s5, $0x0  }
0x1f: {  	s9 =	smul.u32 $0xF7A, s1;
	s8 =	simm.s32 @!p0 $0x1BF5;
	p2 =	por !p2, p0  }
0x20: {  	[sflag:s8] =	ssyncset.s32 @!p0 $0xFFFFF086;
	s6 =	sadd.s32 @!p0 s3, s7;
	s7 =	simm.s32 @!p0 $0x108  }
0x21: {  	s3 =	sadd.s32 s3, s9;
	s6 =	sadd.s32 @!p0 $0x88, s6;
	s7 =	simm.s32 @p2 $0x1082  }
0x22: {  	[simem:s7], [sflag:s8] =	dma.local @!p0 [hbm:s6], $0xF7A  }
0x23: {  	s9 =	sor.u32 $0xD0000000, s2;
	s6 =	simm.s32 $0x108;
	_ =	swait.ge @!p0 [sflag:s8], $0x0  }
0x24: {  	s3 =	sadd.s32 $0x88, s3;
	s6 =	simm.s32 @!p1 $0x1082;
	[sflag:s4] =	ssyncset.s32 $0xFFFFF086  }
0x25: {  	[simem:s6], [sflag:s4] =	dma.local [hbm:s3], $0xF7A  }
0x26: {  	[smem:$0x3F9A] =	sst s1;
	(tag) =	ssettag s2;
	_ =	strace s9  }
0x27: {  	s1 =	sld [smem:$0x3FAA]  }
0x28: {  	s2 =	sld [smem:$0x3FAB]  }
0x29: {  	s4 =	sld [smem:$0x3FAD]  }
0x2a: {  	p0 =	seq.s32 s5, $0x0;
	s5 =	sld [smem:$0x3FAE]  }
0x2b: {  	s6 =	sld [smem:$0x3FAF]  }
0x2c: {  	s7 =	sld [smem:$0x3FB0]  }
0x2d: {  	s3 =	simm.s32 $0x108;
	s8 =	sld [smem:$0x3FB1]  }
0x2e: {  	s3 =	simm.s32 @!p0 $0x1082;
	s9 =	sld [smem:$0x3FB2]  }
0x2f: {  	lr =	sadd.s32 s0, s3;
	s0 =	sld [smem:$0x3FA9]  }
0x30: {  	s3 =	sld [smem:$0x3FAC]  }
0x31: {  	[smem:$0x3FB5] =	sst s10  }
0x32: {  	s10 =	sld [smem:$0x3FB3];
	_ =	sdelay $0x3  }
0x33: {  	p0 =	seq.s32 s10, $0x1;
	s10 =	sld [smem:$0x3FB5];
	_ =	sdelay $0x3  }
0x34: {  	[smem:$0x3FB5] =	sst s10  }
0x35: {  	s10 =	sld [smem:$0x3FB4];
	_ =	sdelay $0x3  }
0x36: {  	p1 =	seq.s32 s10, $0x1;
	s10 =	sld [smem:$0x3FB5];
	_ =	sdelay $0x3  }
0x37: {  	[smem:$0x3FB5] =	sst s10  }
0x38: {  	s10 =	sld [smem:$0x3FB6]  }
0x39: {  	_ = 	snop;
	(pc) =	sbr.ind lr, $3  }
0x3a: {  	_ = 	snop  }
0x3b: {  	_ = 	snop  }
0x3c: {  	p2 =	seq.s32 s10, $0x1;
	s10 =	sld [smem:$0x3FB5]  }
0x3d: {  	_ =	shalt  }
0x3e: {  	_ =	shalt  }
0x3f: {  	_ =	shalt  }
0x40: {  	_ =	shalt  }
0x41: {  	_ =	shalt  }
0x42: {  	_ =	shalt  }
0x43: {  	_ =	shalt  }
0x44: {  	_ =	shalt  }
0x45: {  	_ =	shalt  }
0x46: {  	_ =	shalt  }
0x47: {  	_ =	shalt  }
0x48: {  	_ =	shalt  }
0x49: {  	_ =	shalt  }
0x4a: {  	_ =	shalt  }
0x4b: {  	_ =	shalt  }
0x4c: {  	_ =	shalt  }
0x4d: {  	_ =	shalt  }
0x4e: {  	_ =	shalt  }
0x4f: {  	_ =	shalt  }
0x50: {  	_ =	shalt  }
0x51: {  	_ =	shalt  }
0x52: {  	_ =	shalt  }
0x53: {  	_ =	shalt  }
0x54: {  	_ =	shalt  }
0x55: {  	_ =	shalt  }
0x56: {  	_ =	shalt  }
0x57: {  	_ =	shalt  }
0x58: {  	_ =	shalt  }
0x59: {  	_ =	shalt  }
0x5a: {  	_ =	shalt  }
0x5b: {  	_ =	shalt  }
0x5c: {  	_ =	shalt  }
0x5d: {  	_ =	shalt  }
0x5e: {  	_ =	shalt  }
0x5f: {  	_ =	shalt  }
0x60: {  	_ =	shalt  }
0x61: {  	_ =	shalt  }
0x62: {  	_ =	shalt  }
0x63: {  	_ =	shalt  }
0x64: {  	_ =	shalt  }
0x65: {  	_ =	shalt  }
0x66: {  	_ =	shalt  }
0x67: {  	_ =	shalt  }
0x68: {  	_ =	shalt  }
0x69: {  	_ =	shalt  }
0x6a: {  	_ =	shalt  }
0x6b: {  	_ =	shalt  }
0x6c: {  	_ =	shalt  }
0x6d: {  	_ =	shalt  }
0x6e: {  	_ =	shalt  }
0x6f: {  	_ =	shalt  }
0x70: {  	_ =	shalt  }
0x71: {  	_ =	shalt  }
0x72: {  	_ =	shalt  }
0x73: {  	_ =	shalt  }
0x74: {  	_ =	shalt  }
0x75: {  	_ =	shalt  }
0x76: {  	_ =	shalt  }
0x77: {  	_ =	shalt  }
0x78: {  	_ =	shalt  }
0x79: {  	_ =	shalt  }
0x7a: {  	_ =	shalt  }
0x7b: {  	_ =	shalt  }
0x7c: {  	_ =	shalt  }
0x7d: {  	_ =	shalt  }
0x7e: {  	_ =	shalt  }
0x7f: {  	_ =	shalt  }
0x80: {  	_ =	shalt  }
0x81: {  	_ =	shalt  }
0x82: {  	_ =	shalt  }
0x83: {  	_ =	shalt  }
0x84: {  	_ =	shalt  }
0x85: {  	_ =	shalt  }
0x86: {  	_ =	shalt  }
0x87: {  	_ =	shalt  }
.Lfunc_end0:
.L_simem_size_0:
called_computation_lowered:
.L_overlay_start_0:
0x88: {  	s2 =	sld [smem:$0x3FD9]  }
0x89: {  	s3 =	sld [smem:$0x3FFE];
	_ =	sdelay $0x1  }
0x8a: {  	s1 =	srdreg.scid  }
0x8b: {  	s0 =	sand.u32 $0x1, s1  }
0x8c: {  	s14 =	sshll.u32 s0, $0xA;
	s2 =	sadd.s32 s3, s2  }
0x8d: {  	s2 =	sadd.s32 s2, s14  }
0x8e: {  	[smem:$0x3FC1] =	sst s2  }
0x8f: {  	_ = 	snop  }
0x90: {  	s2 =	sld [smem:$0x3FD0];
	_ =	sdelay $0x2  }
0x91: {  	s4 =	simm.s32 $0xB;
	s5 =	simm.s32 $0x10;
	s15 =	sld [smem:$0x3FC7]  }
0x92: {  	[smem:s5], [sflag:s4] =	dma.local [hbm:s2], $0x1  }
0x93: {  	_ =	swait.eq [sflag:s4], $0x1  }
0x94: {  	[sflag:s4] =	ssyncset.done $0x0  }
0x95: {  	[sflag:s4] =	ssyncadd.s32 $0xFFFFFFFF  }
0x96: {  	s16 =	sld [smem:$0x12];
	(tm) =	ssettm $0x1  }
0x97: {  	s17 =	sld [smem:$0x3FFB];
	_ =	sdelay $0x3  }
0x98: {  	_ =	strace s17  }
0x99: {  	s4 =	sld [smem:$0x3FFC];
	_ =	sdelay $0x3  }
0x9a: {  	_ =	strace s4  }
0x9b: {  	s4 =	sld [smem:$0x3FFD];
	_ =	sdelay $0x3  }
0x9c: {  	_ =	strace s4  }
0x9d: {  	_ =	strace $0x8FFFFFFF  }
0x9e: {  	s18 =	sld [smem:$0x3FDB];
	_ =	sdelay $0x1  }
0x9f: {  	s19 =	simm.s32 $_scs_section_size  }
0xa0: {  	s6 =	simm.s32 $_size__tile_overlayer_lowered;
	s7 =	simm.s32 $_tile_overlayer_lowered  }
0xa1: {  	s22 =	simm.s32 $0x1BFF;
	s21 =	sshll.u32 s7, $0x1;
	s4 =	sadd.s32 s19, s18  }
0xa2: {  	s8 =	simm.s32 $0x0;
	s20 =	sshll.u32 s6, $0x1;
	s6 =	sadd.s32 s21, s4  }
0xa3: {  	[timem:s8], [sflag:s22] =	dma.local [hbm:s6], s20  }
0xa4: {  	_ =	swait.ge [sflag:s22], s20  }
0xa5: {  	s5 =	ssub.s32 $0x0, s20;
	[sflag:s22] =	ssyncset.done $0x0  }
0xa6: {  	[sflag:s22] =	ssyncadd.s32 s5;
	_ =	sdelay $0x1  }
0xa7: {  	s23 =	simm.s32 $0x1B8B  }
0xa8: {  	_ =	swait.ge [sflag:s23], $0x1  }
0xa9: {  	[sflag:s23] =	ssyncset.done $0x0  }
0xaa: {  	s25 =	simm.s32 $0x1B8E;
	s24 =	sld [smem:$0x3FFE];
	[sflag:s23] =	ssyncadd.s32 $0xFFFFFFFF  }
0xab: {  	s26 =	simm.s32 $execute0_lowered;
	[smem:$0x3FD2] =	sst s25  }
0xac: {  	s6 =	sshll.u32 s26, $0x1;
	_ =	strace $0x80000046;
	[dreg:$0x1] =	wrdreg $0xFFFFFFFF  }
0xad: {  	s28 =	simm.s32 $_size_execute0_lowered;
	s4 =	sadd.s32 s4, s6;
	[dreg:$0x0] =	wrdreg $0x0  }
0xae: {  	s6 =	sshll.u32 s28, $0x1;
	[dreg:$0x2] =	wrdreg s4  }
0xaf: {  	[dreg:$0x3] =	wrdreg s6  }
0xb0: {  	[dreg:$0x4] =	wrdreg $0xC0  }
0xb1: {  	_ =	task [dreg:s8], $0x5FFFF  }
0xb2: {  	[dreg:$0x1] =	wrdreg $0xFFFFFFFF  }
0xb3: {  	[dreg:$0x0] =	wrdreg $0x60  }
0xb4: {  	[dreg:$0x2] =	wrdreg s15  }
0xb5: {  	[dreg:$0x3] =	wrdreg s16  }
0xb6: {  	[dreg:$0x4] =	wrdreg s24  }
0xb7: {  	[dreg:$0x5] =	wrdreg $0x9  }
0xb8: {  	_ =	task.clear_ibuf [dreg:s8], $0x6FFFF;
	_ =	strace $0x90000046  }
0xb9: {  	s29 =	simm.s32 $0x9;
	_ =	strace $0x80000048  }
0xba: {  	_ =	swait.ge [sflag:s29], $0x1  }
0xbb: {  	[sflag:s29] =	ssyncadd.s32 $0xFFFFFFFF  }
0xbc: {  	_ =	strace $0x90000048  }
0xbd: {  	_ =	sfence  }
0xbe: {  	s30 =	sld [smem:$0x0];
	_ =	sdelay $0x2  }
0xbf: {  	s31 =	sshll.u32 s1, $0xD;
	s1 =	sshrl.u32 s1, $0x2  }
0xc0: {  	s3 =	sand.u32 $0x4000, s31;
	s1 =	sadd.s32 s1, s30  }
0xc1: {  	s0 =	sor.u32 s3, s0;
	s1 =	sshll.u32 s1, $0x11  }
0xc2: {  	s0 =	sor.u32 s1, s0  }
0xc3: {  	s0 =	sadd.s32 $0x8F2B, s0  }
0xc4: {  	[sflag:s0] =	ssyncadd.remote.s32 $0x1  }
0xc5: {  	_ =	sfence.sel $0xFFFF  }
0xc6: {  	[dreg:$0x0] =	wrdreg $0xFFFFFFFF;
	(pc) =	sbr.abs _section_cstart, $3  }
0xc7: {  	[dreg:$0x1] =	wrdreg $0xFFFFFFFF  }
0xc8: {  	_ =	task.clear_ibuf [dreg:s8], $0x2FFFF;
	_ =	strace $0x9FFFFFFF  }
0xc9: {  	(tm) =	ssettm $0x7FFFFFFF  }
tec
execute0_lowered:
.L_overlay_start_1:
0x0: {  	(tag) =	ssettag $0x1  }
0x1: {  	s2 =	rddreg [dreg:$0x0]  }
0x2: {  	s1 =	srdreg.scid;
	s3 =	rddreg [dreg:$0x1]  }
0x3: {  	s0 =	stileid.u32;
	s5 =	rddreg [dreg:$0x2]  }
0x4: {  	s9 =	simm.s32 $0x1;
	s10 =	simm.s32 $0x3;
	s1 =	sshll.u32 s1, $0x6  }
0x5: {  	s13 =	simm.s32 $0x0;
	s4 =	sshll.u32 s0, $0x7;
	s6 =	sand.u32 $0x40, s1  }
0x6: {  	s12 =	simm.s32 $0x0;
	s5 =	sadd.s32 $0x103200, s5;
	s4 =	sor.u32 s4, s6  }
0x7: {  	s1 =	rddreg [dreg:$0x3];
	_ =	strace $0x80000047;
	s8 =	ssub.s32 $0x1000, s4  }
.Ltmp0:
0x8: {  	s6 =	simm.s32 $0x1;
	s7 =	sand.u32 $0x7C0, s8;
	(pc) =	sbr.rel .LBB2_1-.Ltmp0, $4  }
0x9: {  	[sflag:s6] =	ssyncpa.u1 $0x0;
	s11 =	smov.u32 s4;
	p0 =	sne.s32 s7, $0x0  }
0xa: {  	s8 =	sshrl.u32 s8, $0xB;
	s7 =	simm.s32 $0x2;
	s9 =	simm.s32 @!p0 $0x0  }
0xb: {  	[sflag:s7] =	ssyncpa.u1 $0x0;
	p0 =	por $0x0, $0x0;
	s8 =	sadd.s32 s9, s8  }
0xc: {  	vm0 =	vmmov $0xffff;
	[sflag:s10] =	ssyncpa.u1 $0x0;
	s10 =	simm.s32 $0x0;
	s9 =	sadd.s32 $0x1, s8  }
.LBB2_4:
0xd: {  	v2 =	vnsel vm1, $0x0, v2  }
0xe: {  	vm1 =	vgt.s32 v0, $0x0;
	v2 =	vmin.u32 v2, $0x3FFF  }
0xf: {  	v0 =	vnsel vm1, $0x0, v0  }
0x10: {  	v0 =	vmin.u32 v0, $0x3FFF  }
0x11: {  	[tilespmem:s15], [sflag:$0x1] =	stream.indirect_vreg.gather [hbm4b:s2+s10], $0x1, v1, vm0, $0x4038;
	[tilespmem:$0x100] =	vst v63  }
0x12: {  	(ifvalue) =	ssetifvalue $0x7FFFFFFF  }
0x13: {  	[tilespmem:s16], [sflag:$0x1] =	stream.indirect_vreg.gather [hbm4b:s2+s10], $0x1, v2, vm0, $0x4038;
	[tilespmem:$0x100] =	vst v63  }
0x14: {  	s29 =	sadd.s32 $0x10, s16;
	(ifvalue) =	ssetifvalue $0x7FFFFFFF  }
0x15: {  	[tilespmem:s29], [sflag:$0x1] =	stream.indirect_vreg.gather [hbm4b:s2+s10], $0x1, v0, vm0, $0x4038;
	[tilespmem:$0x100] =	vst v63  }
0x16: {  	_ =	swait.ge [sflag:s6], $0x40  }
0x17: {  	s30 =	sshrl.u32 s13, $0x3;
	[sflag:s6] =	ssyncset.done $0x0  }
0x18: {  	s31 =	sand.u32 $0x7, s13;
	s15 =	sadd.s32 s5, s30;
	[sflag:s6] =	ssyncadd.s32 $0xFFFFFFC0  }
0x19: {  	[hbm4b:s15+s31] =	stream.linear.scatter [tilespmem:s14], [sflag:$0x3], $0x40, $0x38;
	[tilespmem:$0x100] =	vst v63  }
.LBB2_5:
0x1a: {  	s15 =	sadd.s32 $0x800, s11  }
0x1b: {  	p2 =	sgt.s32 s15, $0xFFF  }
0x1c: {  	s15 =	smov.u32 @p2 s4;
	p2 =	sne.s32 s12, s9  }
.Ltmp1:
0x1d: {  	p1 =	slt.u32 s12, $0x2;
	(pc) =	sbr.rel @!p2 .LBB2_6-.Ltmp1, $4  }
0x1e: {  	s14 =	simm.s32 @!p1 $0x3  }
0x1f: {  	s16 =	sadd.s32 $0x1, s12;
	_ =	swait.ge @!p1 [sflag:s14], $0x40  }
0x20: {  	s13 =	smov.u32 s11;
	p0 =	por !p0, !p0;
	[sflag:s14] =	ssyncset.done @!p1 $0x0  }
0x21: {  	s12 =	smov.u32 s16;
	s11 =	smov.u32 s15;
	[sflag:s14] =	ssyncadd.s32 @!p1 $0xFFFFFFC0  }
.LBB2_1:
0x22: {  	p1 =	sge.u32 s12, s8  }
0x23: {  	s14 =	sxor.u32 @!p1 $0xFFFFFFFF, s12  }
0x24: {  	s31 =	sadd.s32 $0xFFFFFFFF, s12;
	s15 =	sshrl.u32 @!p1 s11, $0x3;
	s14 =	sshll.u32 @!p1 s14, $0x6  }
0x25: {  	s16 =	sand.u32 @!p1 $0x7, s11;
	s15 =	sadd.s32 @!p1 s3, s15;
	s14 =	sand.u32 @!p1 $0x40, s14  }
0x26: {  	[tilespmem:s14], [sflag:$0x2] =	stream.linear.gather @!p1 [hbm4b:s15+s16], $0x40, $0x38;
	[tilespmem:$0x100] =	vst v63  }
0x27: {  	p1 =	sge.u32 s31, s8  }
.Ltmp2:
0x28: {  	_ = 	snop;
	(pc) =	sbr.rel @p1 .LBB2_5-.Ltmp2, $1  }
0x29: {  	_ =	sdelay $0x3  }
0x2a: {  	s14 =	simm.s32 $0x1  }
0x2b: {  	_ =	swait.ge [sflag:s7], $0x40;
	s14 =	simm.s32 @!p0 $0x0  }
0x2c: {  	[sflag:s7] =	ssyncset.done $0x0;
	s14 =	sshll.u32 s14, $0x6  }
0x2d: {  	[sflag:s7] =	ssyncadd.s32 $0xFFFFFFC0;
	(ifvalue) =	ssetifvalue $0x7FFFFFFF;
	v0 =	vld.msk [tilespmem:s14+$0x0 ss:$0x1], $0xffff;
	_ =	sdelay $0x4  }
0x2e: {  	s15 =	sadd.s32 $0x10, s14;
	vm1 =	vgt.s32 v0, $0x0  }
0x2f: {  	v2 =	vld.msk [tilespmem:s15+$0x0 ss:$0x1], $0xffff;
	v1 =	vnsel vm1, $0x0, v0  }
0x30: {  	v1 =	vmin.u32 v1, $0x3FFF;
	_ =	sdelay $0x1  }
0x31: {  	s16 =	sshll.u32 s12, $0x6;
	s18 =	simm.s32 $0x20  }
0x32: {  	s16 =	sand.u32 $0x40, s16;
	s17 =	sadd.s32 $0x10, s15;
	s15 =	sor.u32 $0x80, s14  }
0x33: {  	s14 =	sor.u32 $0x80, s16;
	s16 =	sadd.s32 $0x10, s15;
	v0 =	vld.msk [tilespmem:s17+$0x0 ss:$0x1], $0xffff;
	vm1 =	vgt.s32 v2, $0x0;
	(ifvalue) =	ssetifvalue $0x7FFFFFFF  }
.LBB2_3:
0x34: {  	[tilespmem:s15], [sflag:$0x1] =	stream.indirect_vreg.gather [hbm4b:s2+s10], $0x1, v1, vm0, $0x4038;
	[tilespmem:$0x100] =	vst v63  }
0x35: {  	s18 =	sadd.s32 $0x10, s18  }
0x36: {  	v2 =	vnsel vm1, $0x0, v2;
	p1 =	slt.u32 s18, $0x30  }
.Ltmp3:
0x37: {  	s15 =	smov.u32 s16;
	v1 =	vmin.u32 v2, $0x3FFF;
	(pc) =	sbr.rel @p1 .LBB2_3-.Ltmp3, $3  }
0x38: {  	_ =	sdelay $0x1  }
0x39: {  	s17 =	sadd.s32 $0x10, s17  }
0x3a: {  	vm1 =	vgt.s32 v0, $0x0;
	s16 =	sadd.s32 $0x10, s16;
	v2 =	vmov v0;
	(ifvalue) =	ssetifvalue $0x7FFFFFFF;
	v0 =	vld.msk [tilespmem:s17+$0x0 ss:$0x1], $0xffff  }
.Ltmp4:
0x3b: {  	_ = 	snop;
	(pc) =	sbr.rel .LBB2_4-.Ltmp4, $1  }
0x3c: {  	_ =	sdelay $0x3  }
.LBB2_6:
0x3d: {  	_ =	sfence.sel $0x180000  }
0x3e: {  	s2 =	simm.s32 $0x2;
	[bflag:$0x0] =	sbarrier.arrive $0xFFFF  }
0x3f: {  	s30 =	simm.s32 $0x3;
	[sflag:s2] =	ssyncpa.u1 $0x1  }
0x40: {  	s31 =	simm.s32 $0x1;
	[sflag:s30] =	ssyncpa.u1 $0x1  }
0x41: {  	[sflag:s31] =	ssyncpa.u1 $0x1  }
0x42: {  	p0 =	sne.s32 s0, $0x0;
	_ =	strace $0x90000047  }
0x43: {  	s0 =	sadd.s32 @!p0 $0x100000, s1;
	[bflag:$0x2] =	sbarrier.arrive $0xFFFF  }
0x44: {  	[sflag:s0] =	ssyncadd.tile.s32 @!p0 $0x1;
	_ =	shalt  }
.Lfunc_end2:
_tile_overlayer_lowered:
.L_overlay_start_2:
0x45: {  	(tag) =	ssettag $0x2  }
0x46: {  	s0 =	rddreg [dreg:$0x0];
	s2 =	stileid.u32  }
0x47: {  	s1 =	rddreg [dreg:$0x1];
	p0 =	sne.s32 s2, $0x0  }
0x48: {  	s3 =	rddreg [dreg:$0x2];
	[bflag:$0x3] =	sbarrier.arrive $0xFFFF;
	s2 =	simm.s32 @!p0 $0x1C01  }
0x49: {  	[timem:s3], [sflag:s2] =	dma.local @!p0 [hbm:s0], s1  }
0x4a: {  	s0 =	simm.s32 @!p0 $0x1  }
0x4b: {  	_ =	swait.ge @!p0 [sflag:s0], s1  }
0x4c: {  	s1 =	ssub.s32 @!p0 $0x0, s1;
	[sflag:s0] =	ssyncset.done @!p0 $0x0  }
0x4d: {  	[sflag:s0] =	ssyncadd.s32 @!p0 s1  }
0x4e: {  	[bflag:$0x3] =	sbarrier.arrive $0xFFFF  }
0x4f: {  	_ =	shalt  }

// kernel: kernel.6.cloned.1.call-start
scs
__scs_entry_jumppad:
0x0: {  	(pc) =	sbr.rel $0x88, $3  }
0x1: {  	(tag) =	ssettag $0x0;
	lr =	simm.s32 $0x1  }
0x2: {  	[smem:$0x3F9A] =	sst lr;
	_ =	strace $0xD0000000  }
0x3: {  	_ = 	snop  }
0x4: {  	_ = 	snop  }
0x5: {  	_ = 	snop  }
0x6: {  	_ = 	snop  }
0x7: {  	_ = 	snop  }
__scs_overlays_trampoline_lowered:
0x8: {  	[smem:$0x3FA9] =	sst s0  }
0x9: {  	[smem:$0x3FAA] =	sst s1  }
0xa: {  	[smem:$0x3FAB] =	sst s2  }
0xb: {  	[smem:$0x3FAC] =	sst s3  }
0xc: {  	[smem:$0x3FAD] =	sst s4  }
0xd: {  	[smem:$0x3FAE] =	sst s5  }
0xe: {  	[smem:$0x3FAF] =	sst s6  }
0xf: {  	[smem:$0x3FB0] =	sst s7  }
0x10: {  	[smem:$0x3FB1] =	sst s8  }
0x11: {  	[smem:$0x3FB2] =	sst s9;
	s0 =	simm.s32 @!p0 $0x0  }
0x12: {  	s1 =	sld [smem:$0x3F98];
	s0 =	simm.s32 @p0 $0x1  }
0x13: {  	[smem:$0x3FB3] =	sst s0;
	s0 =	simm.s32 @!p1 $0x0  }
0x14: {  	s2 =	sld [smem:$0x3F97];
	s0 =	simm.s32 @p1 $0x1  }
0x15: {  	[smem:$0x3FB4] =	sst s0;
	s0 =	simm.s32 @!p2 $0x0  }
0x16: {  	s3 =	sld [smem:$0x3FDB];
	s0 =	simm.s32 @p2 $0x1  }
0x17: {  	s4 =	simm.s32 $0x1BF5;
	[smem:$0x3FB6] =	sst s0  }
0x18: {  	s0 =	sld [smem:$0x3F99];
	_ =	swait.ge [sflag:s4], $0x0  }
0x19: {  	s7 =	sld [smem:$0x3F9A]  }
0x1a: {  	s8 =	sadd.s32 $0xFFFFE003, lr  }
0x1b: {  	s9 =	sadd.s32 $0xFFFFFEF7, lr;
	s5 =	simm.s32 $0xFFFFFFFF;
	p2 =	slt.u32 s8, $0xFFFFF086  }
0x1c: {  	p1 =	slt.u32 s9, $0xF7A;
	s5 =	simm.s32 @!p2 $0x0  }
0x1d: {  	s5 =	simm.s32 @p1 $0x1;
	p0 =	seq.s32 s7, s2  }
0x1e: {  	s7 =	smul.u32 @!p0 $0xF7A, s2;
	p2 =	seq.s32 @!p0 s5, $0x0  }
0x1f: {  	s9 =	smul.u32 $0xF7A, s1;
	s8 =	simm.s32 @!p0 $0x1BF5;
	p2 =	por !p2, p0  }
0x20: {  	[sflag:s8] =	ssyncset.s32 @!p0 $0xFFFFF086;
	s6 =	sadd.s32 @!p0 s3, s7;
	s7 =	simm.s32 @!p0 $0x108  }
0x21: {  	s3 =	sadd.s32 s3, s9;
	s6 =	sadd.s32 @!p0 $0x88, s6;
	s7 =	simm.s32 @p2 $0x1082  }
0x22: {  	[simem:s7], [sflag:s8] =	dma.local @!p0 [hbm:s6], $0xF7A  }
0x23: {  	s9 =	sor.u32 $0xD0000000, s2;
	s6 =	simm.s32 $0x108;
	_ =	swait.ge @!p0 [sflag:s8], $0x0  }
0x24: {  	s3 =	sadd.s32 $0x88, s3;
	s6 =	simm.s32 @!p1 $0x1082;
	[sflag:s4] =	ssyncset.s32 $0xFFFFF086  }
0x25: {  	[simem:s6], [sflag:s4] =	dma.local [hbm:s3], $0xF7A  }
0x26: {  	[smem:$0x3F9A] =	sst s1;
	(tag) =	ssettag s2;
	_ =	strace s9  }
0x27: {  	s1 =	sld [smem:$0x3FAA]  }
0x28: {  	s2 =	sld [smem:$0x3FAB]  }
0x29: {  	s4 =	sld [smem:$0x3FAD]  }
0x2a: {  	p0 =	seq.s32 s5, $0x0;
	s5 =	sld [smem:$0x3FAE]  }
0x2b: {  	s6 =	sld [smem:$0x3FAF]  }
0x2c: {  	s7 =	sld [smem:$0x3FB0]  }
0x2d: {  	s3 =	simm.s32 $0x108;
	s8 =	sld [smem:$0x3FB1]  }
0x2e: {  	s3 =	simm.s32 @!p0 $0x1082;
	s9 =	sld [smem:$0x3FB2]  }
0x2f: {  	lr =	sadd.s32 s0, s3;
	s0 =	sld [smem:$0x3FA9]  }
0x30: {  	s3 =	sld [smem:$0x3FAC]  }
0x31: {  	[smem:$0x3FB5] =	sst s10  }
0x32: {  	s10 =	sld [smem:$0x3FB3];
	_ =	sdelay $0x3  }
0x33: {  	p0 =	seq.s32 s10, $0x1;
	s10 =	sld [smem:$0x3FB5];
	_ =	sdelay $0x3  }
0x34: {  	[smem:$0x3FB5] =	sst s10  }
0x35: {  	s10 =	sld [smem:$0x3FB4];
	_ =	sdelay $0x3  }
0x36: {  	p1 =	seq.s32 s10, $0x1;
	s10 =	sld [smem:$0x3FB5];
	_ =	sdelay $0x3  }
0x37: {  	[smem:$0x3FB5] =	sst s10  }
0x38: {  	s10 =	sld [smem:$0x3FB6]  }
0x39: {  	_ = 	snop;
	(pc) =	sbr.ind lr, $3  }
0x3a: {  	_ = 	snop  }
0x3b: {  	_ = 	snop  }
0x3c: {  	p2 =	seq.s32 s10, $0x1;
	s10 =	sld [smem:$0x3FB5]  }
0x3d: {  	_ =	shalt  }
0x3e: {  	_ =	shalt  }
0x3f: {  	_ =	shalt  }
0x40: {  	_ =	shalt  }
0x41: {  	_ =	shalt  }
0x42: {  	_ =	shalt  }
0x43: {  	_ =	shalt  }
0x44: {  	_ =	shalt  }
0x45: {  	_ =	shalt  }
0x46: {  	_ =	shalt  }
0x47: {  	_ =	shalt  }
0x48: {  	_ =	shalt  }
0x49: {  	_ =	shalt  }
0x4a: {  	_ =	shalt  }
0x4b: {  	_ =	shalt  }
0x4c: {  	_ =	shalt  }
0x4d: {  	_ =	shalt  }
0x4e: {  	_ =	shalt  }
0x4f: {  	_ =	shalt  }
0x50: {  	_ =	shalt  }
0x51: {  	_ =	shalt  }
0x52: {  	_ =	shalt  }
0x53: {  	_ =	shalt  }
0x54: {  	_ =	shalt  }
0x55: {  	_ =	shalt  }
0x56: {  	_ =	shalt  }
0x57: {  	_ =	shalt  }
0x58: {  	_ =	shalt  }
0x59: {  	_ =	shalt  }
0x5a: {  	_ =	shalt  }
0x5b: {  	_ =	shalt  }
0x5c: {  	_ =	shalt  }
0x5d: {  	_ =	shalt  }
0x5e: {  	_ =	shalt  }
0x5f: {  	_ =	shalt  }
0x60: {  	_ =	shalt  }
0x61: {  	_ =	shalt  }
0x62: {  	_ =	shalt  }
0x63: {  	_ =	shalt  }
0x64: {  	_ =	shalt  }
0x65: {  	_ =	shalt  }
0x66: {  	_ =	shalt  }
0x67: {  	_ =	shalt  }
0x68: {  	_ =	shalt  }
0x69: {  	_ =	shalt  }
0x6a: {  	_ =	shalt  }
0x6b: {  	_ =	shalt  }
0x6c: {  	_ =	shalt  }
0x6d: {  	_ =	shalt  }
0x6e: {  	_ =	shalt  }
0x6f: {  	_ =	shalt  }
0x70: {  	_ =	shalt  }
0x71: {  	_ =	shalt  }
0x72: {  	_ =	shalt  }
0x73: {  	_ =	shalt  }
0x74: {  	_ =	shalt  }
0x75: {  	_ =	shalt  }
0x76: {  	_ =	shalt  }
0x77: {  	_ =	shalt  }
0x78: {  	_ =	shalt  }
0x79: {  	_ =	shalt  }
0x7a: {  	_ =	shalt  }
0x7b: {  	_ =	shalt  }
0x7c: {  	_ =	shalt  }
0x7d: {  	_ =	shalt  }
0x7e: {  	_ =	shalt  }
0x7f: {  	_ =	shalt  }
0x80: {  	_ =	shalt  }
0x81: {  	_ =	shalt  }
0x82: {  	_ =	shalt  }
0x83: {  	_ =	shalt  }
0x84: {  	_ =	shalt  }
0x85: {  	_ =	shalt  }
0x86: {  	_ =	shalt  }
0x87: {  	_ =	shalt  }
.Lfunc_end0:
.L_simem_size_0:
called_computation.1_lowered:
.L_overlay_start_0:
0x88: {  	s2 =	sld [smem:$0x3FD9]  }
0x89: {  	s3 =	sld [smem:$0x3FFE];
	_ =	sdelay $0x1  }
0x8a: {  	s1 =	srdreg.scid  }
0x8b: {  	s0 =	sand.u32 $0x1, s1  }
0x8c: {  	s15 =	sshll.u32 s0, $0xA;
	s2 =	sadd.s32 s3, s2  }
0x8d: {  	s2 =	sadd.s32 s2, s15  }
0x8e: {  	[smem:$0x3FC1] =	sst s2  }
0x8f: {  	_ = 	snop  }
0x90: {  	s2 =	sld [smem:$0x3FD0];
	_ =	sdelay $0x2  }
0x91: {  	s16 =	simm.s32 $0xB;
	s4 =	simm.s32 $0x10  }
0x92: {  	[smem:s4], [sflag:s16] =	dma.local [hbm:s2], $0x1  }
0x93: {  	_ =	swait.eq [sflag:s16], $0x1  }
0x94: {  	[sflag:s16] =	ssyncset.done $0x0  }
0x95: {  	[sflag:s16] =	ssyncadd.s32 $0xFFFFFFFF  }
0x96: {  	s17 =	sld [smem:$0x10];
	(tm) =	ssettm $0x1  }
0x97: {  	s18 =	sld [smem:$0x3FFB];
	_ =	sdelay $0x3  }
0x98: {  	_ =	strace s18  }
0x99: {  	s2 =	sld [smem:$0x3FFC];
	_ =	sdelay $0x3  }
0x9a: {  	_ =	strace s2  }
0x9b: {  	s2 =	sld [smem:$0x3FFD];
	_ =	sdelay $0x3  }
0x9c: {  	_ =	strace s2  }
0x9d: {  	_ =	strace $0x8FFFFFFF  }
0x9e: {  	s19 =	sld [smem:$0x3FDB];
	_ =	sdelay $0x1  }
0x9f: {  	s20 =	simm.s32 $_scs_section_size  }
0xa0: {  	s5 =	simm.s32 $_size__tile_overlayer_lowered;
	s6 =	simm.s32 $_tile_overlayer_lowered  }
0xa1: {  	s7 =	simm.s32 $0x1BFF;
	s21 =	sshll.u32 s6, $0x1;
	s4 =	sadd.s32 s20, s19  }
0xa2: {  	s22 =	simm.s32 $0x0;
	s5 =	sshll.u32 s5, $0x1;
	s6 =	sadd.s32 s21, s4  }
0xa3: {  	[timem:s22], [sflag:s7] =	dma.local [hbm:s6], s5  }
0xa4: {  	_ =	swait.ge [sflag:s7], s5  }
0xa5: {  	s5 =	ssub.s32 $0x0, s5;
	[sflag:s7] =	ssyncset.done $0x0  }
0xa6: {  	[sflag:s7] =	ssyncadd.s32 s5;
	_ =	sdelay $0x1  }
0xa7: {  	s23 =	simm.s32 $0x1B8B  }
0xa8: {  	_ =	swait.ge [sflag:s23], $0x1  }
0xa9: {  	[sflag:s23] =	ssyncset.done $0x0  }
0xaa: {  	[sflag:s23] =	ssyncadd.s32 $0xFFFFFFFF  }
0xab: {  	s5 =	sld [smem:$0x0]  }
0xac: {  	s6 =	sand.u32 $0xFFFFFFFE, s1  }
0xad: {  	p0 =	sne.s32 s1, s6  }
0xae: {  	s6 =	sshll.u32 @p0 s6, $0xE  }
0xaf: {  	s6 =	sadd.s32 @p0 $0x11B8D, s6;
	s7 =	sshll.u32 @p0 s5, $0x11  }
0xb0: {  	s6 =	sor.u32 @p0 s7, s6  }
0xb1: {  	[sflag:s6] =	ssyncadd.remote.s32 @p0 $0x1;
	_ =	sdelay $0x1  }
0xb2: {  	s6 =	simm.s32 @p0 $0x1B8D  }
0xb3: {  	_ =	swait.eq @p0 [sflag:s6], $0x1  }
0xb4: {  	[sflag:s6] =	ssyncadd.s32 @p0 $0xFFFFFFFF  }
0xb5: {  	s7 =	sshll.u32 @!p0 s1, $0xE  }
0xb6: {  	s7 =	sor.u32 @!p0 $0x4000, s7;
	s6 =	simm.s32 @!p0 $0x1B8D  }
0xb7: {  	s5 =	sshll.u32 @!p0 s5, $0x11;
	s7 =	sadd.s32 @!p0 $0x11B8D, s7;
	_ =	swait.eq @!p0 [sflag:s6], $0x1  }
0xb8: {  	s5 =	sor.u32 @!p0 s5, s7;
	[sflag:s6] =	ssyncadd.s32 @!p0 $0xFFFFFFFF  }
0xb9: {  	s25 =	simm.s32 $0x1B8E;
	s24 =	sld [smem:$0x3FFE];
	[sflag:s5] =	ssyncadd.remote.s32 @!p0 $0x1  }
0xba: {  	s26 =	simm.s32 $execute0_lowered;
	[smem:$0x3FD2] =	sst s25  }
0xbb: {  	s6 =	sshll.u32 s26, $0x1;
	_ =	strace $0x80000049;
	[dreg:$0x1] =	wrdreg $0xFFFFFFFF  }
0xbc: {  	s28 =	simm.s32 $_size_execute0_lowered;
	s4 =	sadd.s32 s4, s6;
	[dreg:$0x0] =	wrdreg $0x0  }
0xbd: {  	s6 =	sshll.u32 s28, $0x1;
	[dreg:$0x2] =	wrdreg s4  }
0xbe: {  	[dreg:$0x3] =	wrdreg s6  }
0xbf: {  	[dreg:$0x4] =	wrdreg $0xC0  }
0xc0: {  	_ =	task [dreg:s22], $0x5FFFF  }
0xc1: {  	[dreg:$0x1] =	wrdreg $0xFFFFFFFF  }
0xc2: {  	[dreg:$0x0] =	wrdreg $0x60  }
0xc3: {  	[dreg:$0x2] =	wrdreg s24  }
0xc4: {  	[dreg:$0x3] =	wrdreg s17  }
0xc5: {  	[dreg:$0x4] =	wrdreg $0xA  }
0xc6: {  	_ =	task.clear_ibuf [dreg:s22], $0x5FFFF;
	_ =	strace $0x90000049  }
0xc7: {  	s29 =	simm.s32 $0xA;
	_ =	strace $0x8000004B  }
0xc8: {  	_ =	swait.ge [sflag:s29], $0x1  }
0xc9: {  	[sflag:s29] =	ssyncadd.s32 $0xFFFFFFFF  }
0xca: {  	_ =	strace $0x9000004B  }
0xcb: {  	_ =	sfence  }
0xcc: {  	s30 =	sld [smem:$0x0];
	_ =	sdelay $0x2  }
0xcd: {  	s31 =	sshll.u32 s1, $0xD;
	s1 =	sshrl.u32 s1, $0x2  }
0xce: {  	s4 =	sand.u32 $0x4000, s31;
	s1 =	sadd.s32 s1, s30  }
0xcf: {  	s0 =	sor.u32 s4, s0;
	s1 =	sshll.u32 s1, $0x11  }
0xd0: {  	s0 =	sor.u32 s1, s0  }
0xd1: {  	s0 =	sadd.s32 $0x8F2B, s0  }
0xd2: {  	[sflag:s0] =	ssyncadd.remote.s32 $0x1  }
0xd3: {  	_ =	sfence.sel $0xFFFF  }
0xd4: {  	[dreg:$0x0] =	wrdreg $0xFFFFFFFF;
	(pc) =	sbr.abs _section_cstart, $3  }
0xd5: {  	[dreg:$0x1] =	wrdreg $0xFFFFFFFF  }
0xd6: {  	_ =	task.clear_ibuf [dreg:s22], $0x2FFFF;
	_ =	strace $0x9FFFFFFF  }
0xd7: {  	(tm) =	ssettm $0x7FFFFFFF  }
tec
execute0_lowered:
.L_overlay_start_1:
0x0: {  	(tag) =	ssettag $0x1  }
0x1: {  	s0 =	rddreg [dreg:$0x0]  }
0x2: {  	s6 =	rddreg [dreg:$0x1];
	s3 =	simm.s32 $0x0  }
0x3: {  	s1 =	srdreg.scid;
	s2 =	stileid.u32;
	s14 =	simm.s32 $0x3  }
0x4: {  	s13 =	simm.s32 $0xC000;
	s17 =	simm.s32 $0xD800;
	s18 =	simm.s32 $0xE000  }
0x5: {  	s19 =	simm.s32 $0xE800;
	s20 =	simm.s32 $0xF000;
	s21 =	simm.s32 $0xF800  }
0x6: {  	s22 =	simm.s32 $0x10000;
	s23 =	simm.s32 $0x1;
	s28 =	simm.s32 $0x2  }
0x7: {  	[smem:$0x7FF] =	sst s3;
	s1 =	sand.u32 $0x1, s1;
	s2 =	sshll.u32 s2, $0x1  }
0x8: {  	s4 =	sadd.s32 $0x2E00, s0;
	s5 =	sadd.s32 $0x103000, s0;
	s7 =	sadd.s32 $0x102E00, s0  }
0x9: {  	s9 =	sadd.s32 $0x2F00, s0;
	s10 =	sadd.s32 $0x40, s6;
	_ =	strace $0x8000004A  }
0xa: {  	s2 =	sor.u32 s1, s2;
	s1 =	ssub.s32 $0x2, s1;
	[dreg:$0x3] =	wrdreg s5  }
0xb: {  	[dreg:$0x4] =	wrdreg s7;
	s24 =	sshll.u32 s2, $0x8;
	s25 =	sshrl.u32 s1, $0x1  }
0xc: {  	s7 =	sshll.u32 s2, $0xD;
	s2 =	simm.s32 $0xD000;
	s3 =	sadd.s32 s24, s0  }
0xd: {  	s1 =	ssub.s32 s1, s25;
	s29 =	sadd.s32 s7, s6;
	s26 =	sadd.s32 $0xE00, s3  }
0xe: {  	s24 =	simm.s32 $0x200;
	s30 =	sadd.s32 $0x1E00, s29;
	[dreg:$0x5] =	wrdreg s26  }
0xf: {  	v2 =	vlaneseq.u32;
	s25 =	simm.s32 $0x400;
	s0 =	sadd.s32 $0x1E40, s29;
	[dreg:$0x6] =	wrdreg s30  }
0x10: {  	vm0 =	vmmov $0xffff;
	v1 =	vshrl.u32 v2, $0x3;
	s31 =	smax.u32 s1, $0x1;
	s3 =	simm.s32 $0xC800;
	[dreg:$0x7] =	wrdreg s0  }
0x11: {  	v0 =	vand.u32 $0x7, v2;
	v2 =	vor.u32 $0x8, v2;
	v1 =	vmul.u32 $0x8, v1;
	s1 =	simm.s32 $0x0;
	[dreg:$0x8] =	wrdreg s31;
	s26 =	simm.s32 $0x10800  }
.LBB2_1:
0x12: {  	[dreg:$0x9] =	wrdreg s1  }
0x13: {  	s0 =	simm.s32 $0x0;
	s30 =	rddreg [dreg:$0x5]  }
0x14: {  	[tilespmem:s0], [sflag:$0x3] =	stream.linear.gather [hbm4b:s30+s0], $0x800, $0x38;
	[tilespmem:$0x11400] =	vst v63  }
0x15: {  	_ =	swait.ge [sflag:s14], $0x800  }
0x16: {  	[sflag:s14] =	ssyncset.done $0x0  }
0x17: {  	s5 =	simm.s32 $0x11000;
	s31 =	rddreg [dreg:$0x3];
	[sflag:s14] =	ssyncadd.s32 $0xFFFFF800  }
0x18: {  	[tilespmem:s5], [sflag:$0x3] =	stream.linear.gather [hbm4b:s31+s0], $0x200, $0x38;
	[tilespmem:$0x11400] =	vst v63  }
0x19: {  	_ =	swait.ge [sflag:s14], $0x200  }
0x1a: {  	[sflag:s14] =	ssyncset.done $0x0  }
0x1b: {  	s6 =	simm.s32 $0x11200;
	s5 =	rddreg [dreg:$0x4];
	[sflag:s14] =	ssyncadd.s32 $0xFFFFFE00  }
0x1c: {  	[tilespmem:s6], [sflag:$0x3] =	stream.linear.gather [hbm4b:s5+s0], $0x200, $0x38;
	[tilespmem:$0x11400] =	vst v63  }
0x1d: {  	_ =	swait.ge [sflag:s14], $0x200  }
0x1e: {  	[sflag:s14] =	ssyncset.done $0x0  }
0x1f: {  	[sflag:s14] =	ssyncadd.s32 $0xFFFFFE00  }
0x20: {  	v3 =	vld [tilespmem:$0x0];
	_ =	sdelay $0x4  }
0x21: {  	v4 =	vshll.u32 v3, $0x2  }
0x22: {  	v3 =	vand.u32 $0x7, v3;
	v4 =	vand.u32 $0xFFFFFFE0, v4  }
0x23: {  	v3 =	vor.u32 v3, v4  }
0x24: {  	v4 =	vperm.xlane v3, v0;
	_ =	sdelay $0x1  }
0x25: {  	v4 =	vadd.s32 v1, v4;
	_ =	sdelay $0x1  }
0x26: {  	v3 =	vperm.xlane v3, v2;
	_ =	sdelay $0x1  }
0x27: {  	s8 =	simm.s32 $0x800;
	v3 =	vadd.s32 v1, v3  }
0x28: {  	[tilespmem:s8], [sflag:$0x1] =	stream.indirect_vreg.gather [hbm4b:s4+s0], $0x80, v4, vm0, $0xb8;
	[tilespmem:$0x11400] =	vst v63  }
0x29: {  	s11 =	simm.s32 $0x1000  }
0x2a: {  	[tilespmem:s11], [sflag:$0x1] =	stream.indirect_vreg.gather [hbm4b:s9+s0], $0x80, v4, vm0, $0xb8;
	[tilespmem:$0x11400] =	vst v63  }
0x2b: {  	s12 =	simm.s32 $0x1800  }
0x2c: {  	[tilespmem:s12], [sflag:$0x1] =	stream.indirect_vreg.gather [hbm4b:s4+s0], $0x80, v3, vm0, $0xb8;
	[tilespmem:$0x11400] =	vst v63  }
0x2d: {  	s15 =	simm.s32 $0x2000  }
0x2e: {  	[tilespmem:s15], [sflag:$0x1] =	stream.indirect_vreg.gather [hbm4b:s9+s0], $0x80, v3, vm0, $0xb8;
	[tilespmem:$0x11400] =	vst v63  }
0x2f: {  	v3 =	vld [tilespmem:$0x10];
	_ =	sdelay $0x4  }
0x30: {  	v61 =	vshll.u32 v3, $0x2  }
0x31: {  	v3 =	vand.u32 $0x7, v3;
	v4 =	vand.u32 $0xFFFFFFE0, v61  }
0x32: {  	v3 =	vor.u32 v3, v4  }
0x33: {  	v4 =	vperm.xlane v3, v0;
	_ =	sdelay $0x1  }
0x34: {  	v4 =	vadd.s32 v1, v4;
	_ =	sdelay $0x1  }
0x35: {  	v3 =	vperm.xlane v3, v2;
	_ =	sdelay $0x1  }
0x36: {  	s16 =	simm.s32 $0x2800;
	v3 =	vadd.s32 v1, v3  }
0x37: {  	[tilespmem:s16], [sflag:$0x1] =	stream.indirect_vreg.gather [hbm4b:s4+s0], $0x80, v4, vm0, $0xb8;
	[tilespmem:$0x11400] =	vst v63  }
0x38: {  	s30 =	simm.s32 $0x3000  }
0x39: {  	[tilespmem:s30], [sflag:$0x1] =	stream.indirect_vreg.gather [hbm4b:s9+s0], $0x80, v4, vm0, $0xb8;
	[tilespmem:$0x11400] =	vst v63  }
0x3a: {  	s31 =	simm.s32 $0x3800  }
0x3b: {  	[tilespmem:s31], [sflag:$0x1] =	stream.indirect_vreg.gather [hbm4b:s4+s0], $0x80, v3, vm0, $0xb8;
	[tilespmem:$0x11400] =	vst v63  }
0x3c: {  	s5 =	simm.s32 $0x4000  }
0x3d: {  	[tilespmem:s5], [sflag:$0x1] =	stream.indirect_vreg.gather [hbm4b:s9+s0], $0x80, v3, vm0, $0xb8;
	[tilespmem:$0x11400] =	vst v63  }
0x3e: {  	v3 =	vld [tilespmem:$0x20];
	_ =	sdelay $0x4  }
0x3f: {  	v62 =	vshll.u32 v3, $0x2  }
0x40: {  	v3 =	vand.u32 $0x7, v3;
	v4 =	vand.u32 $0xFFFFFFE0, v62  }
0x41: {  	v3 =	vor.u32 v3, v4  }
0x42: {  	v4 =	vperm.xlane v3, v0;
	_ =	sdelay $0x1  }
0x43: {  	v4 =	vadd.s32 v1, v4;
	_ =	sdelay $0x1  }
0x44: {  	v3 =	vperm.xlane v3, v2;
	_ =	sdelay $0x1  }
0x45: {  	s6 =	simm.s32 $0x4800;
	v3 =	vadd.s32 v1, v3  }
0x46: {  	[tilespmem:s6], [sflag:$0x1] =	stream.indirect_vreg.gather [hbm4b:s4+s0], $0x80, v4, vm0, $0xb8;
	[tilespmem:$0x11400] =	vst v63  }
0x47: {  	s8 =	simm.s32 $0x5000  }
0x48: {  	[tilespmem:s8], [sflag:$0x1] =	stream.indirect_vreg.gather [hbm4b:s9+s0], $0x80, v4, vm0, $0xb8;
	[tilespmem:$0x11400] =	vst v63  }
0x49: {  	s11 =	simm.s32 $0x5800  }
0x4a: {  	[tilespmem:s11], [sflag:$0x1] =	stream.indirect_vreg.gather [hbm4b:s4+s0], $0x80, v3, vm0, $0xb8;
	[tilespmem:$0x11400] =	vst v63  }
0x4b: {  	s12 =	simm.s32 $0x6000  }
0x4c: {  	[tilespmem:s12], [sflag:$0x1] =	stream.indirect_vreg.gather [hbm4b:s9+s0], $0x80, v3, vm0, $0xb8;
	[tilespmem:$0x11400] =	vst v63  }
0x4d: {  	v3 =	vld [tilespmem:$0x30];
	_ =	sdelay $0x4  }
0x4e: {  	v63 =	vshll.u32 v3, $0x2  }
0x4f: {  	v3 =	vand.u32 $0x7, v3;
	v4 =	vand.u32 $0xFFFFFFE0, v63  }
0x50: {  	v3 =	vor.u32 v3, v4  }
0x51: {  	v4 =	vperm.xlane v3, v0;
	_ =	sdelay $0x1  }
0x52: {  	v4 =	vadd.s32 v1, v4;
	_ =	sdelay $0x1  }
0x53: {  	v3 =	vperm.xlane v3, v2;
	_ =	sdelay $0x1  }
0x54: {  	s15 =	simm.s32 $0x6800;
	v3 =	vadd.s32 v1, v3  }
0x55: {  	[tilespmem:s15], [sflag:$0x1] =	stream.indirect_vreg.gather [hbm4b:s4+s0], $0x80, v4, vm0, $0xb8;
	[tilespmem:$0x11400] =	vst v63  }
0x56: {  	s16 =	simm.s32 $0x7000  }
0x57: {  	[tilespmem:s16], [sflag:$0x1] =	stream.indirect_vreg.gather [hbm4b:s9+s0], $0x80, v4, vm0, $0xb8;
	[tilespmem:$0x11400] =	vst v63  }
0x58: {  	s30 =	simm.s32 $0x7800  }
0x59: {  	[tilespmem:s30], [sflag:$0x1] =	stream.indirect_vreg.gather [hbm4b:s4+s0], $0x80, v3, vm0, $0xb8;
	[tilespmem:$0x11400] =	vst v63  }
0x5a: {  	s29 =	simm.s32 $0x0;
	s31 =	simm.s32 $0x8000  }
0x5b: {  	[tilespmem:s31], [sflag:$0x1] =	stream.indirect_vreg.gather [hbm4b:s9+s0], $0x80, v3, vm0, $0xb8;
	[tilespmem:$0x11400] =	vst v63  }
.LBB2_2:
0x5c: {  	s31 =	sshll.u32 s29, $0x9  }
0x5d: {  	s30 =	sshrl.u32 s31, $0x2  }
0x5e: {  	v3 =	vld [tilespmem:s30+$0x40];
	_ =	sdelay $0x4  }
0x5f: {  	v4 =	vshll.u32 v3, $0x2  }
0x60: {  	v3 =	vand.u32 $0x7, v3;
	v4 =	vand.u32 $0xFFFFFFE0, v4  }
0x61: {  	v3 =	vor.u32 v3, v4  }
0x62: {  	v4 =	vperm.xlane v3, v0;
	_ =	sdelay $0x1  }
0x63: {  	v4 =	vadd.s32 v1, v4;
	_ =	sdelay $0x1  }
0x64: {  	v3 =	vperm.xlane v3, v2;
	_ =	sdelay $0x1  }
0x65: {  	s0 =	simm.s32 $0x0;
	s1 =	simm.s32 $0x8800;
	v3 =	vadd.s32 v1, v3  }
0x66: {  	[tilespmem:s1], [sflag:$0x2] =	stream.indirect_vreg.gather [hbm4b:s4+s0], $0x80, v4, vm0, $0xb8;
	[tilespmem:$0x11400] =	vst v63  }
0x67: {  	s6 =	simm.s32 $0x9000  }
0x68: {  	[tilespmem:s6], [sflag:$0x2] =	stream.indirect_vreg.gather [hbm4b:s9+s0], $0x80, v4, vm0, $0xb8;
	[tilespmem:$0x11400] =	vst v63  }
0x69: {  	s8 =	simm.s32 $0x9800  }
0x6a: {  	[tilespmem:s8], [sflag:$0x2] =	stream.indirect_vreg.gather [hbm4b:s4+s0], $0x80, v3, vm0, $0xb8;
	[tilespmem:$0x11400] =	vst v63  }
0x6b: {  	s11 =	simm.s32 $0xA000  }
0x6c: {  	[tilespmem:s11], [sflag:$0x2] =	stream.indirect_vreg.gather [hbm4b:s9+s0], $0x80, v3, vm0, $0xb8;
	[tilespmem:$0x11400] =	vst v63  }
0x6d: {  	v3 =	vld [tilespmem:s30+$0x50];
	_ =	sdelay $0x4  }
0x6e: {  	v61 =	vshll.u32 v3, $0x2  }
0x6f: {  	v3 =	vand.u32 $0x7, v3;
	v4 =	vand.u32 $0xFFFFFFE0, v61  }
0x70: {  	v3 =	vor.u32 v3, v4  }
0x71: {  	v4 =	vperm.xlane v3, v0;
	_ =	sdelay $0x1  }
0x72: {  	v4 =	vadd.s32 v1, v4;
	_ =	sdelay $0x1  }
0x73: {  	v3 =	vperm.xlane v3, v2;
	_ =	sdelay $0x1  }
0x74: {  	s12 =	simm.s32 $0xA800;
	v3 =	vadd.s32 v1, v3  }
0x75: {  	[tilespmem:s12], [sflag:$0x2] =	stream.indirect_vreg.gather [hbm4b:s4+s0], $0x80, v4, vm0, $0xb8;
	[tilespmem:$0x11400] =	vst v63  }
0x76: {  	s15 =	simm.s32 $0xB000  }
0x77: {  	[tilespmem:s15], [sflag:$0x2] =	stream.indirect_vreg.gather [hbm4b:s9+s0], $0x80, v4, vm0, $0xb8;
	[tilespmem:$0x11400] =	vst v63  }
0x78: {  	s16 =	simm.s32 $0xB800  }
0x79: {  	[tilespmem:s16], [sflag:$0x2] =	stream.indirect_vreg.gather [hbm4b:s4+s0], $0x80, v3, vm0, $0xb8;
	[tilespmem:$0x11400] =	vst v63  }
0x7a: {  	_ = 	snop  }
0x7b: {  	[tilespmem:s13], [sflag:$0x2] =	stream.indirect_vreg.gather [hbm4b:s9+s0], $0x80, v3, vm0, $0xb8;
	[tilespmem:$0x11400] =	vst v63  }
0x7c: {  	v3 =	vld [tilespmem:s30+$0x60];
	_ =	sdelay $0x4  }
0x7d: {  	v62 =	vshll.u32 v3, $0x2  }
0x7e: {  	v3 =	vand.u32 $0x7, v3;
	v4 =	vand.u32 $0xFFFFFFE0, v62  }
0x7f: {  	v3 =	vor.u32 v3, v4  }
0x80: {  	v4 =	vperm.xlane v3, v0;
	_ =	sdelay $0x1  }
0x81: {  	v4 =	vadd.s32 v1, v4;
	_ =	sdelay $0x1  }
0x82: {  	v3 =	vperm.xlane v3, v2;
	_ =	sdelay $0x1  }
0x83: {  	v3 =	vadd.s32 v1, v3  }
0x84: {  	[tilespmem:s3], [sflag:$0x2] =	stream.indirect_vreg.gather [hbm4b:s4+s0], $0x80, v4, vm0, $0xb8;
	[tilespmem:$0x11400] =	vst v63  }
0x85: {  	_ = 	snop  }
0x86: {  	[tilespmem:s2], [sflag:$0x2] =	stream.indirect_vreg.gather [hbm4b:s9+s0], $0x80, v4, vm0, $0xb8;
	[tilespmem:$0x11400] =	vst v63  }
0x87: {  	_ = 	snop  }
0x88: {  	[tilespmem:s17], [sflag:$0x2] =	stream.indirect_vreg.gather [hbm4b:s4+s0], $0x80, v3, vm0, $0xb8;
	[tilespmem:$0x11400] =	vst v63  }
0x89: {  	_ = 	snop  }
0x8a: {  	[tilespmem:s18], [sflag:$0x2] =	stream.indirect_vreg.gather [hbm4b:s9+s0], $0x80, v3, vm0, $0xb8;
	[tilespmem:$0x11400] =	vst v63  }
0x8b: {  	v3 =	vld [tilespmem:s30+$0x70];
	_ =	sdelay $0x4  }
0x8c: {  	v63 =	vshll.u32 v3, $0x2  }
0x8d: {  	v3 =	vand.u32 $0x7, v3;
	v4 =	vand.u32 $0xFFFFFFE0, v63  }
0x8e: {  	v3 =	vor.u32 v3, v4  }
0x8f: {  	v4 =	vperm.xlane v3, v0;
	_ =	sdelay $0x1  }
0x90: {  	v4 =	vadd.s32 v1, v4;
	_ =	sdelay $0x1  }
0x91: {  	v3 =	vperm.xlane v3, v2;
	_ =	sdelay $0x1  }
0x92: {  	v3 =	vadd.s32 v1, v3  }
0x93: {  	[tilespmem:s19], [sflag:$0x2] =	stream.indirect_vreg.gather [hbm4b:s4+s0], $0x80, v4, vm0, $0xb8;
	[tilespmem:$0x11400] =	vst v63  }
0x94: {  	_ = 	snop  }
0x95: {  	[tilespmem:s20], [sflag:$0x2] =	stream.indirect_vreg.gather [hbm4b:s9+s0], $0x80, v4, vm0, $0xb8;
	[tilespmem:$0x11400] =	vst v63  }
0x96: {  	_ = 	snop  }
0x97: {  	[tilespmem:s21], [sflag:$0x2] =	stream.indirect_vreg.gather [hbm4b:s4+s0], $0x80, v3, vm0, $0xb8;
	[tilespmem:$0x11400] =	vst v63  }
0x98: {  	_ = 	snop  }
0x99: {  	[tilespmem:s22], [sflag:$0x2] =	stream.indirect_vreg.gather [hbm4b:s9+s0], $0x80, v3, vm0, $0xb8;
	[tilespmem:$0x11400] =	vst v63  }
0x9a: {  	_ =	swait.ge [sflag:s23], $0x8000  }
0x9b: {  	[sflag:s23] =	ssyncset.done $0x0  }
0x9c: {  	[sflag:s23] =	ssyncadd.s32 $0xFFFF8000  }
.LBB2_3:
0x9d: {  	s16 =	sshll.u32 s0, $0x4  }
0x9e: {  	s15 =	sshrl.u32 s0, $0x3;
	s1 =	sand.u32 $0x70, s16  }
0x9f: {  	s5 =	sshll.u32 s15, $0xC;
	v3 =	vmov s1  }
0xa0: {  	s6 =	simm.s32 $0x200;
	s5 =	sshra.s32 s5, $0x2  }
0xa1: {  	s8 =	simm.s32 $0x80;
	s6 =	sand.u32 $0x1000, s6;
	s5 =	sadd.s32 $0x800, s5  }
0xa2: {  	s8 =	sand.u32 $0x380, s8;
	s11 =	sor.u32 s1, s5;
	s6 =	sadd.s32 s6, s5  }
0xa3: {  	v4 =	vld [tilespmem:s11+$0x0];
	s8 =	sadd.s32 s8, s6  }
0xa4: {  	v5 =	vld.idx.msk [tilespmem:v3+s8+$0x0 ss:$0x1], $0xffff  }
0xa5: {  	s6 =	simm.s32 $0x400;
	s8 =	simm.s32 $0x100  }
.LBB2_4:
0xa6: {  	s11 =	sand.u32 $0x1000, s6;
	p0 =	sne.s32 s6, $0x1E00;
	s6 =	sadd.s32 $0x200, s6  }
.Ltmp0:
0xa7: {  	s12 =	sand.u32 $0x380, s8;
	s11 =	sadd.s32 s11, s5;
	(pc) =	sbr.rel @p0 .LBB2_4-.Ltmp0, $3  }
0xa8: {  	s11 =	sadd.s32 s12, s11  }
0xa9: {  	v4 =	vmax.f32 v4, v5;
	v5 =	vld.idx.msk [tilespmem:v3+s11+$0x0 ss:$0x1], $0xffff;
	_ =	sdelay $0x1  }
0xaa: {  	s8 =	sadd.s32 $0x80, s8  }
0xab: {  	v3 =	vld [tilespmem:s16+$0x11000];
	_ =	sdelay $0x1  }
0xac: {  	v6 =	vld [tilespmem:s16+$0x11200];
	_ =	sdelay $0x1  }
0xad: {  	s0 =	sadd.s32 $0x1, s0;
	v4 =	vmax.f32 v4, v5  }
0xae: {  	p0 =	sne.s32 s0, $0x20;
	v3 =	vmul.f32 v3, v4  }
.Ltmp1:
0xaf: {  	_ = 	snop;
	(pc) =	sbr.rel @p0 .LBB2_3-.Ltmp1, $4  }
0xb0: {  	s5 =	sshll.u32 s15, $0x9;
	v3 =	vadd.f32 v6, v3  }
0xb1: {  	s5 =	sand.u32 $0x3FFFFE00, s5  }
0xb2: {  	s1 =	sor.u32 s1, s5;
	v3 =	vmax.f32 v3, $0.0e+00  }
0xb3: {  	[tilespmem:s1+$0x10800] =	vst v3  }
0xb4: {  	s0 =	simm.s32 $0x0  }
.LBB2_7:
0xb5: {  	s16 =	sshll.u32 s0, $0x4  }
0xb6: {  	s15 =	sshrl.u32 s0, $0x3;
	s1 =	sand.u32 $0x70, s16  }
0xb7: {  	s5 =	sshll.u32 s15, $0xC;
	v3 =	vmov s1  }
0xb8: {  	s6 =	simm.s32 $0x200;
	s5 =	sshra.s32 s5, $0x2  }
0xb9: {  	s8 =	simm.s32 $0x80;
	s6 =	sand.u32 $0x1000, s6;
	s5 =	sadd.s32 $0x2800, s5  }
0xba: {  	s8 =	sand.u32 $0x380, s8;
	s11 =	sor.u32 s1, s5;
	s6 =	sadd.s32 s6, s5  }
0xbb: {  	v4 =	vld [tilespmem:s11+$0x0];
	s8 =	sadd.s32 s8, s6  }
0xbc: {  	v5 =	vld.idx.msk [tilespmem:v3+s8+$0x0 ss:$0x1], $0xffff  }
0xbd: {  	s6 =	simm.s32 $0x400;
	s8 =	simm.s32 $0x100  }
.LBB2_8:
0xbe: {  	s11 =	sand.u32 $0x1000, s6;
	p0 =	sne.s32 s6, $0x1E00;
	s6 =	sadd.s32 $0x200, s6  }
.Ltmp2:
0xbf: {  	s12 =	sand.u32 $0x380, s8;
	s11 =	sadd.s32 s11, s5;
	(pc) =	sbr.rel @p0 .LBB2_8-.Ltmp2, $3  }
0xc0: {  	s11 =	sadd.s32 s12, s11  }
0xc1: {  	v4 =	vmax.f32 v4, v5;
	v5 =	vld.idx.msk [tilespmem:v3+s11+$0x0 ss:$0x1], $0xffff;
	_ =	sdelay $0x1  }
0xc2: {  	s8 =	sadd.s32 $0x80, s8  }
0xc3: {  	v3 =	vld [tilespmem:s16+$0x11000];
	_ =	sdelay $0x1  }
0xc4: {  	v6 =	vld [tilespmem:s16+$0x11200];
	_ =	sdelay $0x1  }
0xc5: {  	s0 =	sadd.s32 $0x1, s0;
	v4 =	vmax.f32 v4, v5  }
0xc6: {  	p0 =	sne.s32 s0, $0x20;
	v3 =	vmul.f32 v3, v4  }
.Ltmp3:
0xc7: {  	_ = 	snop;
	(pc) =	sbr.rel @p0 .LBB2_7-.Ltmp3, $4  }
0xc8: {  	s5 =	sshll.u32 s15, $0x9;
	v3 =	vadd.f32 v6, v3  }
0xc9: {  	s5 =	sand.u32 $0x3FFFFE00, s5  }
0xca: {  	s1 =	sor.u32 s1, s5;
	v3 =	vmax.f32 v3, $0.0e+00  }
0xcb: {  	[tilespmem:s1+$0x10880] =	vst v3  }
0xcc: {  	s0 =	simm.s32 $0x0  }
.LBB2_11:
0xcd: {  	s16 =	sshll.u32 s0, $0x4  }
0xce: {  	s15 =	sshrl.u32 s0, $0x3;
	s1 =	sand.u32 $0x70, s16  }
0xcf: {  	s5 =	sshll.u32 s15, $0xC;
	v3 =	vmov s1  }
0xd0: {  	s6 =	simm.s32 $0x200;
	s5 =	sshra.s32 s5, $0x2  }
0xd1: {  	s8 =	simm.s32 $0x80;
	s6 =	sand.u32 $0x1000, s6;
	s5 =	sadd.s32 $0x4800, s5  }
0xd2: {  	s8 =	sand.u32 $0x380, s8;
	s11 =	sor.u32 s1, s5;
	s6 =	sadd.s32 s6, s5  }
0xd3: {  	v4 =	vld [tilespmem:s11+$0x0];
	s8 =	sadd.s32 s8, s6  }
0xd4: {  	v5 =	vld.idx.msk [tilespmem:v3+s8+$0x0 ss:$0x1], $0xffff  }
0xd5: {  	s6 =	simm.s32 $0x400;
	s8 =	simm.s32 $0x100  }
.LBB2_12:
0xd6: {  	s11 =	sand.u32 $0x1000, s6;
	p0 =	sne.s32 s6, $0x1E00;
	s6 =	sadd.s32 $0x200, s6  }
.Ltmp4:
0xd7: {  	s12 =	sand.u32 $0x380, s8;
	s11 =	sadd.s32 s11, s5;
	(pc) =	sbr.rel @p0 .LBB2_12-.Ltmp4, $3  }
0xd8: {  	s11 =	sadd.s32 s12, s11  }
0xd9: {  	v4 =	vmax.f32 v4, v5;
	v5 =	vld.idx.msk [tilespmem:v3+s11+$0x0 ss:$0x1], $0xffff;
	_ =	sdelay $0x1  }
0xda: {  	s8 =	sadd.s32 $0x80, s8  }
0xdb: {  	v3 =	vld [tilespmem:s16+$0x11000];
	_ =	sdelay $0x1  }
0xdc: {  	v6 =	vld [tilespmem:s16+$0x11200];
	_ =	sdelay $0x1  }
0xdd: {  	s0 =	sadd.s32 $0x1, s0;
	v4 =	vmax.f32 v4, v5  }
0xde: {  	p0 =	sne.s32 s0, $0x20;
	v3 =	vmul.f32 v3, v4  }
.Ltmp5:
0xdf: {  	_ = 	snop;
	(pc) =	sbr.rel @p0 .LBB2_11-.Ltmp5, $4  }
0xe0: {  	s5 =	sshll.u32 s15, $0x9;
	v3 =	vadd.f32 v6, v3  }
0xe1: {  	s5 =	sand.u32 $0x3FFFFE00, s5  }
0xe2: {  	s1 =	sor.u32 s1, s5;
	v3 =	vmax.f32 v3, $0.0e+00  }
0xe3: {  	[tilespmem:s1+$0x10900] =	vst v3  }
0xe4: {  	s0 =	simm.s32 $0x0  }
.LBB2_15:
0xe5: {  	s16 =	sshll.u32 s0, $0x4  }
0xe6: {  	s15 =	sshrl.u32 s0, $0x3;
	s1 =	sand.u32 $0x70, s16  }
0xe7: {  	s5 =	sshll.u32 s15, $0xC;
	v3 =	vmov s1  }
0xe8: {  	s6 =	simm.s32 $0x200;
	s5 =	sshra.s32 s5, $0x2  }
0xe9: {  	s8 =	simm.s32 $0x80;
	s6 =	sand.u32 $0x1000, s6;
	s5 =	sadd.s32 $0x6800, s5  }
0xea: {  	s8 =	sand.u32 $0x380, s8;
	s11 =	sor.u32 s1, s5;
	s6 =	sadd.s32 s6, s5  }
0xeb: {  	v4 =	vld [tilespmem:s11+$0x0];
	s8 =	sadd.s32 s8, s6  }
0xec: {  	v5 =	vld.idx.msk [tilespmem:v3+s8+$0x0 ss:$0x1], $0xffff  }
0xed: {  	s6 =	simm.s32 $0x400;
	s8 =	simm.s32 $0x100  }
.LBB2_16:
0xee: {  	s11 =	sand.u32 $0x1000, s6;
	p0 =	sne.s32 s6, $0x1E00;
	s6 =	sadd.s32 $0x200, s6  }
.Ltmp6:
0xef: {  	s12 =	sand.u32 $0x380, s8;
	s11 =	sadd.s32 s11, s5;
	(pc) =	sbr.rel @p0 .LBB2_16-.Ltmp6, $3  }
0xf0: {  	s11 =	sadd.s32 s12, s11  }
0xf1: {  	v4 =	vmax.f32 v4, v5;
	v5 =	vld.idx.msk [tilespmem:v3+s11+$0x0 ss:$0x1], $0xffff;
	_ =	sdelay $0x1  }
0xf2: {  	s8 =	sadd.s32 $0x80, s8  }
0xf3: {  	v3 =	vld [tilespmem:s16+$0x11000];
	_ =	sdelay $0x1  }
0xf4: {  	v6 =	vld [tilespmem:s16+$0x11200];
	_ =	sdelay $0x1  }
0xf5: {  	s0 =	sadd.s32 $0x1, s0;
	v4 =	vmax.f32 v4, v5  }
0xf6: {  	p0 =	sne.s32 s0, $0x20;
	v3 =	vmul.f32 v3, v4  }
.Ltmp7:
0xf7: {  	_ = 	snop;
	(pc) =	sbr.rel @p0 .LBB2_15-.Ltmp7, $4  }
0xf8: {  	s5 =	sshll.u32 s15, $0x9;
	v3 =	vadd.f32 v6, v3  }
0xf9: {  	s5 =	sand.u32 $0x3FFFFE00, s5  }
0xfa: {  	s1 =	sor.u32 s1, s5;
	v3 =	vmax.f32 v3, $0.0e+00  }
0xfb: {  	[tilespmem:s1+$0x10980] =	vst v3  }
0xfc: {  	s31 =	sadd.s32 s7, s31;
	s0 =	rddreg [dreg:$0x1]  }
0xfd: {  	s0 =	sadd.s32 s0, s31  }
0xfe: {  	[hbm4b:s0+s24] =	stream.strided.scatter [tilespmem:s26], [sflag:$0x3], $0x800, s25, s24, $0x38;
	[tilespmem:$0x11400] =	vst v63  }
0xff: {  	_ =	swait.ge [sflag:s14], $0x800  }
0x100: {  	[sflag:s14] =	ssyncset.done $0x0  }
0x101: {  	[sflag:s14] =	ssyncadd.s32 $0xFFFFF800  }
0x102: {  	v3 =	vld [tilespmem:s30+$0x80];
	_ =	sdelay $0x4  }
0x103: {  	v4 =	vshll.u32 v3, $0x2  }
0x104: {  	v3 =	vand.u32 $0x7, v3;
	v4 =	vand.u32 $0xFFFFFFE0, v4  }
0x105: {  	v3 =	vor.u32 v3, v4  }
0x106: {  	v4 =	vperm.xlane v3, v0;
	_ =	sdelay $0x1  }
0x107: {  	v4 =	vadd.s32 v1, v4;
	_ =	sdelay $0x1  }
0x108: {  	v3 =	vperm.xlane v3, v2;
	_ =	sdelay $0x1  }
0x109: {  	s1 =	simm.s32 $0x800;
	s0 =	simm.s32 $0x0;
	v3 =	vadd.s32 v1, v3  }
0x10a: {  	[tilespmem:s1], [sflag:$0x1] =	stream.indirect_vreg.gather [hbm4b:s4+s0], $0x80, v4, vm0, $0xb8;
	[tilespmem:$0x11400] =	vst v63  }
0x10b: {  	s5 =	simm.s32 $0x1000  }
0x10c: {  	[tilespmem:s5], [sflag:$0x1] =	stream.indirect_vreg.gather [hbm4b:s9+s0], $0x80, v4, vm0, $0xb8;
	[tilespmem:$0x11400] =	vst v63  }
0x10d: {  	s6 =	simm.s32 $0x1800  }
0x10e: {  	[tilespmem:s6], [sflag:$0x1] =	stream.indirect_vreg.gather [hbm4b:s4+s0], $0x80, v3, vm0, $0xb8;
	[tilespmem:$0x11400] =	vst v63  }
0x10f: {  	s8 =	simm.s32 $0x2000  }
0x110: {  	[tilespmem:s8], [sflag:$0x1] =	stream.indirect_vreg.gather [hbm4b:s9+s0], $0x80, v3, vm0, $0xb8;
	[tilespmem:$0x11400] =	vst v63  }
0x111: {  	v3 =	vld [tilespmem:s30+$0x90];
	_ =	sdelay $0x4  }
0x112: {  	v61 =	vshll.u32 v3, $0x2  }
0x113: {  	v3 =	vand.u32 $0x7, v3;
	v4 =	vand.u32 $0xFFFFFFE0, v61  }
0x114: {  	v3 =	vor.u32 v3, v4  }
0x115: {  	v4 =	vperm.xlane v3, v0;
	_ =	sdelay $0x1  }
0x116: {  	v4 =	vadd.s32 v1, v4;
	_ =	sdelay $0x1  }
0x117: {  	v3 =	vperm.xlane v3, v2;
	_ =	sdelay $0x1  }
0x118: {  	s11 =	simm.s32 $0x2800;
	v3 =	vadd.s32 v1, v3  }
0x119: {  	[tilespmem:s11], [sflag:$0x1] =	stream.indirect_vreg.gather [hbm4b:s4+s0], $0x80, v4, vm0, $0xb8;
	[tilespmem:$0x11400] =	vst v63  }
0x11a: {  	s12 =	simm.s32 $0x3000  }
0x11b: {  	[tilespmem:s12], [sflag:$0x1] =	stream.indirect_vreg.gather [hbm4b:s9+s0], $0x80, v4, vm0, $0xb8;
	[tilespmem:$0x11400] =	vst v63  }
0x11c: {  	s15 =	simm.s32 $0x3800  }
0x11d: {  	[tilespmem:s15], [sflag:$0x1] =	stream.indirect_vreg.gather [hbm4b:s4+s0], $0x80, v3, vm0, $0xb8;
	[tilespmem:$0x11400] =	vst v63  }
0x11e: {  	s16 =	simm.s32 $0x4000  }
0x11f: {  	[tilespmem:s16], [sflag:$0x1] =	stream.indirect_vreg.gather [hbm4b:s9+s0], $0x80, v3, vm0, $0xb8;
	[tilespmem:$0x11400] =	vst v63  }
0x120: {  	v3 =	vld [tilespmem:s30+$0xA0];
	_ =	sdelay $0x4  }
0x121: {  	v62 =	vshll.u32 v3, $0x2  }
0x122: {  	v3 =	vand.u32 $0x7, v3;
	v4 =	vand.u32 $0xFFFFFFE0, v62  }
0x123: {  	v3 =	vor.u32 v3, v4  }
0x124: {  	v4 =	vperm.xlane v3, v0;
	_ =	sdelay $0x1  }
0x125: {  	v4 =	vadd.s32 v1, v4;
	_ =	sdelay $0x1  }
0x126: {  	v3 =	vperm.xlane v3, v2;
	_ =	sdelay $0x1  }
0x127: {  	s5 =	simm.s32 $0x4800;
	v3 =	vadd.s32 v1, v3  }
0x128: {  	[tilespmem:s5], [sflag:$0x1] =	stream.indirect_vreg.gather [hbm4b:s4+s0], $0x80, v4, vm0, $0xb8;
	[tilespmem:$0x11400] =	vst v63  }
0x129: {  	s6 =	simm.s32 $0x5000  }
0x12a: {  	[tilespmem:s6], [sflag:$0x1] =	stream.indirect_vreg.gather [hbm4b:s9+s0], $0x80, v4, vm0, $0xb8;
	[tilespmem:$0x11400] =	vst v63  }
0x12b: {  	s8 =	simm.s32 $0x5800  }
0x12c: {  	[tilespmem:s8], [sflag:$0x1] =	stream.indirect_vreg.gather [hbm4b:s4+s0], $0x80, v3, vm0, $0xb8;
	[tilespmem:$0x11400] =	vst v63  }
0x12d: {  	s11 =	simm.s32 $0x6000  }
0x12e: {  	[tilespmem:s11], [sflag:$0x1] =	stream.indirect_vreg.gather [hbm4b:s9+s0], $0x80, v3, vm0, $0xb8;
	[tilespmem:$0x11400] =	vst v63  }
0x12f: {  	v3 =	vld [tilespmem:s30+$0xB0];
	_ =	sdelay $0x4  }
0x130: {  	v63 =	vshll.u32 v3, $0x2  }
0x131: {  	v3 =	vand.u32 $0x7, v3;
	v4 =	vand.u32 $0xFFFFFFE0, v63  }
0x132: {  	v3 =	vor.u32 v3, v4  }
0x133: {  	v4 =	vperm.xlane v3, v0;
	_ =	sdelay $0x1  }
0x134: {  	v4 =	vadd.s32 v1, v4;
	_ =	sdelay $0x1  }
0x135: {  	v3 =	vperm.xlane v3, v2;
	_ =	sdelay $0x1  }
0x136: {  	s12 =	simm.s32 $0x6800;
	v3 =	vadd.s32 v1, v3  }
0x137: {  	[tilespmem:s12], [sflag:$0x1] =	stream.indirect_vreg.gather [hbm4b:s4+s0], $0x80, v4, vm0, $0xb8;
	[tilespmem:$0x11400] =	vst v63  }
0x138: {  	s15 =	simm.s32 $0x7000  }
0x139: {  	[tilespmem:s15], [sflag:$0x1] =	stream.indirect_vreg.gather [hbm4b:s9+s0], $0x80, v4, vm0, $0xb8;
	[tilespmem:$0x11400] =	vst v63  }
0x13a: {  	s16 =	simm.s32 $0x7800  }
0x13b: {  	[tilespmem:s16], [sflag:$0x1] =	stream.indirect_vreg.gather [hbm4b:s4+s0], $0x80, v3, vm0, $0xb8;
	[tilespmem:$0x11400] =	vst v63  }
0x13c: {  	s30 =	simm.s32 $0x8000  }
0x13d: {  	[tilespmem:s30], [sflag:$0x1] =	stream.indirect_vreg.gather [hbm4b:s9+s0], $0x80, v3, vm0, $0xb8;
	[tilespmem:$0x11400] =	vst v63  }
0x13e: {  	_ =	swait.ge [sflag:s28], $0x8000  }
0x13f: {  	[sflag:s28] =	ssyncset.done $0x0  }
0x140: {  	[sflag:s28] =	ssyncadd.s32 $0xFFFF8000  }
.LBB2_19:
0x141: {  	s16 =	sshll.u32 s0, $0x4  }
0x142: {  	s15 =	sshrl.u32 s0, $0x3;
	s1 =	sand.u32 $0x70, s16  }
0x143: {  	s5 =	sshll.u32 s15, $0xC;
	v3 =	vmov s1  }
0x144: {  	s6 =	simm.s32 $0x200;
	s5 =	sshra.s32 s5, $0x2  }
0x145: {  	s8 =	simm.s32 $0x80;
	s6 =	sand.u32 $0x1000, s6;
	s5 =	sadd.s32 $0x8800, s5  }
0x146: {  	s8 =	sand.u32 $0x380, s8;
	s11 =	sor.u32 s1, s5;
	s6 =	sadd.s32 s6, s5  }
0x147: {  	v4 =	vld [tilespmem:s11+$0x0];
	s8 =	sadd.s32 s8, s6  }
0x148: {  	v5 =	vld.idx.msk [tilespmem:v3+s8+$0x0 ss:$0x1], $0xffff  }
0x149: {  	s6 =	simm.s32 $0x400;
	s8 =	simm.s32 $0x100  }
.LBB2_20:
0x14a: {  	s11 =	sand.u32 $0x1000, s6;
	p0 =	sne.s32 s6, $0x1E00;
	s6 =	sadd.s32 $0x200, s6  }
.Ltmp8:
0x14b: {  	s12 =	sand.u32 $0x380, s8;
	s11 =	sadd.s32 s11, s5;
	(pc) =	sbr.rel @p0 .LBB2_20-.Ltmp8, $3  }
0x14c: {  	s11 =	sadd.s32 s12, s11  }
0x14d: {  	v4 =	vmax.f32 v4, v5;
	v5 =	vld.idx.msk [tilespmem:v3+s11+$0x0 ss:$0x1], $0xffff;
	_ =	sdelay $0x1  }
0x14e: {  	s8 =	sadd.s32 $0x80, s8  }
0x14f: {  	v3 =	vld [tilespmem:s16+$0x11000];
	_ =	sdelay $0x1  }
0x150: {  	v6 =	vld [tilespmem:s16+$0x11200];
	_ =	sdelay $0x1  }
0x151: {  	s0 =	sadd.s32 $0x1, s0;
	v4 =	vmax.f32 v4, v5  }
0x152: {  	p0 =	sne.s32 s0, $0x20;
	v3 =	vmul.f32 v3, v4  }
.Ltmp9:
0x153: {  	_ = 	snop;
	(pc) =	sbr.rel @p0 .LBB2_19-.Ltmp9, $4  }
0x154: {  	s5 =	sshll.u32 s15, $0x9;
	v3 =	vadd.f32 v6, v3  }
0x155: {  	s5 =	sand.u32 $0x3FFFFE00, s5  }
0x156: {  	s1 =	sor.u32 s1, s5;
	v3 =	vmax.f32 v3, $0.0e+00  }
0x157: {  	[tilespmem:s1+$0x10800] =	vst v3  }
0x158: {  	s0 =	simm.s32 $0x0  }
.LBB2_23:
0x159: {  	s16 =	sshll.u32 s0, $0x4  }
0x15a: {  	s15 =	sshrl.u32 s0, $0x3;
	s1 =	sand.u32 $0x70, s16  }
0x15b: {  	s5 =	sshll.u32 s15, $0xC;
	v3 =	vmov s1  }
0x15c: {  	s6 =	simm.s32 $0x200;
	s5 =	sshra.s32 s5, $0x2  }
0x15d: {  	s8 =	simm.s32 $0x80;
	s6 =	sand.u32 $0x1000, s6;
	s5 =	sadd.s32 $0xA800, s5  }
0x15e: {  	s8 =	sand.u32 $0x380, s8;
	s11 =	sor.u32 s1, s5;
	s6 =	sadd.s32 s6, s5  }
0x15f: {  	v4 =	vld [tilespmem:s11+$0x0];
	s8 =	sadd.s32 s8, s6  }
0x160: {  	v5 =	vld.idx.msk [tilespmem:v3+s8+$0x0 ss:$0x1], $0xffff  }
0x161: {  	s6 =	simm.s32 $0x400;
	s8 =	simm.s32 $0x100  }
.LBB2_24:
0x162: {  	s11 =	sand.u32 $0x1000, s6;
	p0 =	sne.s32 s6, $0x1E00;
	s6 =	sadd.s32 $0x200, s6  }
.Ltmp10:
0x163: {  	s12 =	sand.u32 $0x380, s8;
	s11 =	sadd.s32 s11, s5;
	(pc) =	sbr.rel @p0 .LBB2_24-.Ltmp10, $3  }
0x164: {  	s11 =	sadd.s32 s12, s11  }
0x165: {  	v4 =	vmax.f32 v4, v5;
	v5 =	vld.idx.msk [tilespmem:v3+s11+$0x0 ss:$0x1], $0xffff;
	_ =	sdelay $0x1  }
0x166: {  	s8 =	sadd.s32 $0x80, s8  }
0x167: {  	v3 =	vld [tilespmem:s16+$0x11000];
	_ =	sdelay $0x1  }
0x168: {  	v6 =	vld [tilespmem:s16+$0x11200];
	_ =	sdelay $0x1  }
0x169: {  	s0 =	sadd.s32 $0x1, s0;
	v4 =	vmax.f32 v4, v5  }
0x16a: {  	p0 =	sne.s32 s0, $0x20;
	v3 =	vmul.f32 v3, v4  }
.Ltmp11:
0x16b: {  	_ = 	snop;
	(pc) =	sbr.rel @p0 .LBB2_23-.Ltmp11, $4  }
0x16c: {  	s5 =	sshll.u32 s15, $0x9;
	v3 =	vadd.f32 v6, v3  }
0x16d: {  	s5 =	sand.u32 $0x3FFFFE00, s5  }
0x16e: {  	s1 =	sor.u32 s1, s5;
	v3 =	vmax.f32 v3, $0.0e+00  }
0x16f: {  	[tilespmem:s1+$0x10880] =	vst v3  }
0x170: {  	s0 =	simm.s32 $0x0  }
.LBB2_27:
0x171: {  	s16 =	sshll.u32 s0, $0x4  }
0x172: {  	s15 =	sshrl.u32 s0, $0x3;
	s1 =	sand.u32 $0x70, s16  }
0x173: {  	s5 =	sshll.u32 s15, $0xC;
	v3 =	vmov s1  }
0x174: {  	s6 =	simm.s32 $0x200;
	s5 =	sshra.s32 s5, $0x2  }
0x175: {  	s8 =	simm.s32 $0x80;
	s6 =	sand.u32 $0x1000, s6;
	s5 =	sadd.s32 $0xC800, s5  }
0x176: {  	s8 =	sand.u32 $0x380, s8;
	s11 =	sor.u32 s1, s5;
	s6 =	sadd.s32 s6, s5  }
0x177: {  	v4 =	vld [tilespmem:s11+$0x0];
	s8 =	sadd.s32 s8, s6  }
0x178: {  	v5 =	vld.idx.msk [tilespmem:v3+s8+$0x0 ss:$0x1], $0xffff  }
0x179: {  	s6 =	simm.s32 $0x400;
	s8 =	simm.s32 $0x100  }
.LBB2_28:
0x17a: {  	s11 =	sand.u32 $0x1000, s6;
	p0 =	sne.s32 s6, $0x1E00;
	s6 =	sadd.s32 $0x200, s6  }
.Ltmp12:
0x17b: {  	s12 =	sand.u32 $0x380, s8;
	s11 =	sadd.s32 s11, s5;
	(pc) =	sbr.rel @p0 .LBB2_28-.Ltmp12, $3  }
0x17c: {  	s11 =	sadd.s32 s12, s11  }
0x17d: {  	v4 =	vmax.f32 v4, v5;
	v5 =	vld.idx.msk [tilespmem:v3+s11+$0x0 ss:$0x1], $0xffff;
	_ =	sdelay $0x1  }
0x17e: {  	s8 =	sadd.s32 $0x80, s8  }
0x17f: {  	v3 =	vld [tilespmem:s16+$0x11000];
	_ =	sdelay $0x1  }
0x180: {  	v6 =	vld [tilespmem:s16+$0x11200];
	_ =	sdelay $0x1  }
0x181: {  	s0 =	sadd.s32 $0x1, s0;
	v4 =	vmax.f32 v4, v5  }
0x182: {  	p0 =	sne.s32 s0, $0x20;
	v3 =	vmul.f32 v3, v4  }
.Ltmp13:
0x183: {  	_ = 	snop;
	(pc) =	sbr.rel @p0 .LBB2_27-.Ltmp13, $4  }
0x184: {  	s5 =	sshll.u32 s15, $0x9;
	v3 =	vadd.f32 v6, v3  }
0x185: {  	s5 =	sand.u32 $0x3FFFFE00, s5  }
0x186: {  	s1 =	sor.u32 s1, s5;
	v3 =	vmax.f32 v3, $0.0e+00  }
0x187: {  	[tilespmem:s1+$0x10900] =	vst v3  }
0x188: {  	s0 =	simm.s32 $0x0  }
.LBB2_31:
0x189: {  	s16 =	sshll.u32 s0, $0x4  }
0x18a: {  	s15 =	sshrl.u32 s0, $0x3;
	s1 =	sand.u32 $0x70, s16  }
0x18b: {  	s5 =	sshll.u32 s15, $0xC;
	v3 =	vmov s1  }
0x18c: {  	s6 =	simm.s32 $0x200;
	s5 =	sshra.s32 s5, $0x2  }
0x18d: {  	s8 =	simm.s32 $0x80;
	s6 =	sand.u32 $0x1000, s6;
	s5 =	sadd.s32 $0xE800, s5  }
0x18e: {  	s8 =	sand.u32 $0x380, s8;
	s11 =	sor.u32 s1, s5;
	s6 =	sadd.s32 s6, s5  }
0x18f: {  	v4 =	vld [tilespmem:s11+$0x0];
	s8 =	sadd.s32 s8, s6  }
0x190: {  	v5 =	vld.idx.msk [tilespmem:v3+s8+$0x0 ss:$0x1], $0xffff  }
0x191: {  	s6 =	simm.s32 $0x400;
	s8 =	simm.s32 $0x100  }
.LBB2_32:
0x192: {  	s11 =	sand.u32 $0x1000, s6;
	p0 =	sne.s32 s6, $0x1E00;
	s6 =	sadd.s32 $0x200, s6  }
.Ltmp14:
0x193: {  	s12 =	sand.u32 $0x380, s8;
	s11 =	sadd.s32 s11, s5;
	(pc) =	sbr.rel @p0 .LBB2_32-.Ltmp14, $3  }
0x194: {  	s11 =	sadd.s32 s12, s11  }
0x195: {  	v4 =	vmax.f32 v4, v5;
	v5 =	vld.idx.msk [tilespmem:v3+s11+$0x0 ss:$0x1], $0xffff;
	_ =	sdelay $0x1  }
0x196: {  	s8 =	sadd.s32 $0x80, s8  }
0x197: {  	v3 =	vld [tilespmem:s16+$0x11000];
	_ =	sdelay $0x1  }
0x198: {  	v6 =	vld [tilespmem:s16+$0x11200];
	_ =	sdelay $0x1  }
0x199: {  	s0 =	sadd.s32 $0x1, s0;
	v4 =	vmax.f32 v4, v5  }
0x19a: {  	p0 =	sne.s32 s0, $0x20;
	v3 =	vmul.f32 v3, v4  }
.Ltmp15:
0x19b: {  	_ = 	snop;
	(pc) =	sbr.rel @p0 .LBB2_31-.Ltmp15, $4  }
0x19c: {  	s5 =	sshll.u32 s15, $0x9;
	v3 =	vadd.f32 v6, v3  }
0x19d: {  	s5 =	sand.u32 $0x3FFFFE00, s5  }
0x19e: {  	s1 =	sor.u32 s1, s5;
	v3 =	vmax.f32 v3, $0.0e+00  }
0x19f: {  	[tilespmem:s1+$0x10980] =	vst v3  }
0x1a0: {  	s29 =	sadd.s32 $0x1, s29  }
0x1a1: {  	p0 =	sne.s32 s29, $0xF  }
.Ltmp16:
0x1a2: {  	s0 =	sadd.s32 s31, s10;
	(pc) =	sbr.rel @p0 .LBB2_2-.Ltmp16, $4  }
0x1a3: {  	[hbm4b:s0+s24] =	stream.strided.scatter [tilespmem:s26], [sflag:$0x3], $0x800, s25, s24, $0x38;
	[tilespmem:$0x11400] =	vst v63  }
0x1a4: {  	_ =	swait.ge [sflag:s14], $0x800  }
0x1a5: {  	[sflag:s14] =	ssyncset.done $0x0  }
0x1a6: {  	[sflag:s14] =	ssyncadd.s32 $0xFFFFF800  }
0x1a7: {  	v3 =	vld [tilespmem:$0x7C0];
	_ =	sdelay $0x4  }
0x1a8: {  	v4 =	vshll.u32 v3, $0x2  }
0x1a9: {  	v3 =	vand.u32 $0x7, v3;
	v4 =	vand.u32 $0xFFFFFFE0, v4  }
0x1aa: {  	v3 =	vor.u32 v3, v4  }
0x1ab: {  	v4 =	vperm.xlane v3, v0;
	_ =	sdelay $0x1  }
0x1ac: {  	v4 =	vadd.s32 v1, v4;
	_ =	sdelay $0x1  }
0x1ad: {  	v3 =	vperm.xlane v3, v2;
	_ =	sdelay $0x1  }
0x1ae: {  	s0 =	simm.s32 $0x0;
	s1 =	simm.s32 $0x8800;
	v3 =	vadd.s32 v1, v3  }
0x1af: {  	[tilespmem:s1], [sflag:$0x2] =	stream.indirect_vreg.gather [hbm4b:s4+s0], $0x80, v4, vm0, $0xb8;
	[tilespmem:$0x11400] =	vst v63  }
0x1b0: {  	s12 =	simm.s32 $0x9000  }
0x1b1: {  	[tilespmem:s12], [sflag:$0x2] =	stream.indirect_vreg.gather [hbm4b:s9+s0], $0x80, v4, vm0, $0xb8;
	[tilespmem:$0x11400] =	vst v63  }
0x1b2: {  	s15 =	simm.s32 $0x9800  }
0x1b3: {  	[tilespmem:s15], [sflag:$0x2] =	stream.indirect_vreg.gather [hbm4b:s4+s0], $0x80, v3, vm0, $0xb8;
	[tilespmem:$0x11400] =	vst v63  }
0x1b4: {  	s16 =	simm.s32 $0xA000  }
0x1b5: {  	[tilespmem:s16], [sflag:$0x2] =	stream.indirect_vreg.gather [hbm4b:s9+s0], $0x80, v3, vm0, $0xb8;
	[tilespmem:$0x11400] =	vst v63  }
0x1b6: {  	v3 =	vld [tilespmem:$0x7D0];
	_ =	sdelay $0x4  }
0x1b7: {  	v61 =	vshll.u32 v3, $0x2  }
0x1b8: {  	v3 =	vand.u32 $0x7, v3;
	v4 =	vand.u32 $0xFFFFFFE0, v61  }
0x1b9: {  	v3 =	vor.u32 v3, v4  }
0x1ba: {  	v4 =	vperm.xlane v3, v0;
	_ =	sdelay $0x1  }
0x1bb: {  	v4 =	vadd.s32 v1, v4;
	_ =	sdelay $0x1  }
0x1bc: {  	v3 =	vperm.xlane v3, v2;
	_ =	sdelay $0x1  }
0x1bd: {  	s29 =	simm.s32 $0xA800;
	v3 =	vadd.s32 v1, v3  }
0x1be: {  	[tilespmem:s29], [sflag:$0x2] =	stream.indirect_vreg.gather [hbm4b:s4+s0], $0x80, v4, vm0, $0xb8;
	[tilespmem:$0x11400] =	vst v63  }
0x1bf: {  	s30 =	simm.s32 $0xB000  }
0x1c0: {  	[tilespmem:s30], [sflag:$0x2] =	stream.indirect_vreg.gather [hbm4b:s9+s0], $0x80, v4, vm0, $0xb8;
	[tilespmem:$0x11400] =	vst v63  }
0x1c1: {  	s31 =	simm.s32 $0xB800  }
0x1c2: {  	[tilespmem:s31], [sflag:$0x2] =	stream.indirect_vreg.gather [hbm4b:s4+s0], $0x80, v3, vm0, $0xb8;
	[tilespmem:$0x11400] =	vst v63  }
0x1c3: {  	_ = 	snop  }
0x1c4: {  	[tilespmem:s13], [sflag:$0x2] =	stream.indirect_vreg.gather [hbm4b:s9+s0], $0x80, v3, vm0, $0xb8;
	[tilespmem:$0x11400] =	vst v63  }
0x1c5: {  	v3 =	vld [tilespmem:$0x7E0];
	_ =	sdelay $0x4  }
0x1c6: {  	v62 =	vshll.u32 v3, $0x2  }
0x1c7: {  	v3 =	vand.u32 $0x7, v3;
	v4 =	vand.u32 $0xFFFFFFE0, v62  }
0x1c8: {  	v3 =	vor.u32 v3, v4  }
0x1c9: {  	v4 =	vperm.xlane v3, v0;
	_ =	sdelay $0x1  }
0x1ca: {  	v4 =	vadd.s32 v1, v4;
	_ =	sdelay $0x1  }
0x1cb: {  	v3 =	vperm.xlane v3, v2;
	_ =	sdelay $0x1  }
0x1cc: {  	v3 =	vadd.s32 v1, v3  }
0x1cd: {  	[tilespmem:s3], [sflag:$0x2] =	stream.indirect_vreg.gather [hbm4b:s4+s0], $0x80, v4, vm0, $0xb8;
	[tilespmem:$0x11400] =	vst v63  }
0x1ce: {  	_ = 	snop  }
0x1cf: {  	[tilespmem:s2], [sflag:$0x2] =	stream.indirect_vreg.gather [hbm4b:s9+s0], $0x80, v4, vm0, $0xb8;
	[tilespmem:$0x11400] =	vst v63  }
0x1d0: {  	_ = 	snop  }
0x1d1: {  	[tilespmem:s17], [sflag:$0x2] =	stream.indirect_vreg.gather [hbm4b:s4+s0], $0x80, v3, vm0, $0xb8;
	[tilespmem:$0x11400] =	vst v63  }
0x1d2: {  	_ = 	snop  }
0x1d3: {  	[tilespmem:s18], [sflag:$0x2] =	stream.indirect_vreg.gather [hbm4b:s9+s0], $0x80, v3, vm0, $0xb8;
	[tilespmem:$0x11400] =	vst v63  }
0x1d4: {  	v3 =	vld [tilespmem:$0x7F0];
	_ =	sdelay $0x4  }
0x1d5: {  	v63 =	vshll.u32 v3, $0x2  }
0x1d6: {  	v3 =	vand.u32 $0x7, v3;
	v4 =	vand.u32 $0xFFFFFFE0, v63  }
0x1d7: {  	v3 =	vor.u32 v3, v4  }
0x1d8: {  	v4 =	vperm.xlane v3, v0;
	_ =	sdelay $0x1  }
0x1d9: {  	v4 =	vadd.s32 v1, v4;
	_ =	sdelay $0x1  }
0x1da: {  	v3 =	vperm.xlane v3, v2;
	_ =	sdelay $0x1  }
0x1db: {  	v3 =	vadd.s32 v1, v3  }
0x1dc: {  	[tilespmem:s19], [sflag:$0x2] =	stream.indirect_vreg.gather [hbm4b:s4+s0], $0x80, v4, vm0, $0xb8;
	[tilespmem:$0x11400] =	vst v63  }
0x1dd: {  	_ = 	snop  }
0x1de: {  	[tilespmem:s20], [sflag:$0x2] =	stream.indirect_vreg.gather [hbm4b:s9+s0], $0x80, v4, vm0, $0xb8;
	[tilespmem:$0x11400] =	vst v63  }
0x1df: {  	_ = 	snop  }
0x1e0: {  	[tilespmem:s21], [sflag:$0x2] =	stream.indirect_vreg.gather [hbm4b:s4+s0], $0x80, v3, vm0, $0xb8;
	[tilespmem:$0x11400] =	vst v63  }
0x1e1: {  	_ = 	snop  }
0x1e2: {  	[tilespmem:s22], [sflag:$0x2] =	stream.indirect_vreg.gather [hbm4b:s9+s0], $0x80, v3, vm0, $0xb8;
	[tilespmem:$0x11400] =	vst v63  }
0x1e3: {  	_ =	swait.ge [sflag:s23], $0x8000  }
0x1e4: {  	[sflag:s23] =	ssyncset.done $0x0  }
0x1e5: {  	[sflag:s23] =	ssyncadd.s32 $0xFFFF8000  }
.LBB2_36:
0x1e6: {  	s16 =	sshll.u32 s0, $0x4  }
0x1e7: {  	s15 =	sshrl.u32 s0, $0x3;
	s1 =	sand.u32 $0x70, s16  }
0x1e8: {  	s5 =	sshll.u32 s15, $0xC;
	v3 =	vmov s1  }
0x1e9: {  	s6 =	simm.s32 $0x200;
	s5 =	sshra.s32 s5, $0x2  }
0x1ea: {  	s8 =	simm.s32 $0x80;
	s6 =	sand.u32 $0x1000, s6;
	s5 =	sadd.s32 $0x800, s5  }
0x1eb: {  	s8 =	sand.u32 $0x380, s8;
	s11 =	sor.u32 s1, s5;
	s6 =	sadd.s32 s6, s5  }
0x1ec: {  	v4 =	vld [tilespmem:s11+$0x0];
	s8 =	sadd.s32 s8, s6  }
0x1ed: {  	v5 =	vld.idx.msk [tilespmem:v3+s8+$0x0 ss:$0x1], $0xffff  }
0x1ee: {  	s6 =	simm.s32 $0x400;
	s8 =	simm.s32 $0x100  }
.LBB2_37:
0x1ef: {  	s11 =	sand.u32 $0x1000, s6;
	p0 =	sne.s32 s6, $0x1E00;
	s6 =	sadd.s32 $0x200, s6  }
.Ltmp17:
0x1f0: {  	s12 =	sand.u32 $0x380, s8;
	s11 =	sadd.s32 s11, s5;
	(pc) =	sbr.rel @p0 .LBB2_37-.Ltmp17, $3  }
0x1f1: {  	s11 =	sadd.s32 s12, s11  }
0x1f2: {  	v4 =	vmax.f32 v4, v5;
	v5 =	vld.idx.msk [tilespmem:v3+s11+$0x0 ss:$0x1], $0xffff;
	_ =	sdelay $0x1  }
0x1f3: {  	s8 =	sadd.s32 $0x80, s8  }
0x1f4: {  	v3 =	vld [tilespmem:s16+$0x11000];
	_ =	sdelay $0x1  }
0x1f5: {  	v6 =	vld [tilespmem:s16+$0x11200];
	_ =	sdelay $0x1  }
0x1f6: {  	s0 =	sadd.s32 $0x1, s0;
	v4 =	vmax.f32 v4, v5  }
0x1f7: {  	p0 =	sne.s32 s0, $0x20;
	v3 =	vmul.f32 v3, v4  }
.Ltmp18:
0x1f8: {  	_ = 	snop;
	(pc) =	sbr.rel @p0 .LBB2_36-.Ltmp18, $4  }
0x1f9: {  	s5 =	sshll.u32 s15, $0x9;
	v3 =	vadd.f32 v6, v3  }
0x1fa: {  	s5 =	sand.u32 $0x3FFFFE00, s5  }
0x1fb: {  	s1 =	sor.u32 s1, s5;
	v3 =	vmax.f32 v3, $0.0e+00  }
0x1fc: {  	[tilespmem:s1+$0x10800] =	vst v3  }
0x1fd: {  	s0 =	simm.s32 $0x0  }
.LBB2_40:
0x1fe: {  	s16 =	sshll.u32 s0, $0x4  }
0x1ff: {  	s15 =	sshrl.u32 s0, $0x3;
	s1 =	sand.u32 $0x70, s16  }
0x200: {  	s5 =	sshll.u32 s15, $0xC;
	v3 =	vmov s1  }
0x201: {  	s6 =	simm.s32 $0x200;
	s5 =	sshra.s32 s5, $0x2  }
0x202: {  	s8 =	simm.s32 $0x80;
	s6 =	sand.u32 $0x1000, s6;
	s5 =	sadd.s32 $0x2800, s5  }
0x203: {  	s8 =	sand.u32 $0x380, s8;
	s11 =	sor.u32 s1, s5;
	s6 =	sadd.s32 s6, s5  }
0x204: {  	v4 =	vld [tilespmem:s11+$0x0];
	s8 =	sadd.s32 s8, s6  }
0x205: {  	v5 =	vld.idx.msk [tilespmem:v3+s8+$0x0 ss:$0x1], $0xffff  }
0x206: {  	s6 =	simm.s32 $0x400;
	s8 =	simm.s32 $0x100  }
.LBB2_41:
0x207: {  	s11 =	sand.u32 $0x1000, s6;
	p0 =	sne.s32 s6, $0x1E00;
	s6 =	sadd.s32 $0x200, s6  }
.Ltmp19:
0x208: {  	s12 =	sand.u32 $0x380, s8;
	s11 =	sadd.s32 s11, s5;
	(pc) =	sbr.rel @p0 .LBB2_41-.Ltmp19, $3  }
0x209: {  	s11 =	sadd.s32 s12, s11  }
0x20a: {  	v4 =	vmax.f32 v4, v5;
	v5 =	vld.idx.msk [tilespmem:v3+s11+$0x0 ss:$0x1], $0xffff;
	_ =	sdelay $0x1  }
0x20b: {  	s8 =	sadd.s32 $0x80, s8  }
0x20c: {  	v3 =	vld [tilespmem:s16+$0x11000];
	_ =	sdelay $0x1  }
0x20d: {  	v6 =	vld [tilespmem:s16+$0x11200];
	_ =	sdelay $0x1  }
0x20e: {  	s0 =	sadd.s32 $0x1, s0;
	v4 =	vmax.f32 v4, v5  }
0x20f: {  	p0 =	sne.s32 s0, $0x20;
	v3 =	vmul.f32 v3, v4  }
.Ltmp20:
0x210: {  	_ = 	snop;
	(pc) =	sbr.rel @p0 .LBB2_40-.Ltmp20, $4  }
0x211: {  	s5 =	sshll.u32 s15, $0x9;
	v3 =	vadd.f32 v6, v3  }
0x212: {  	s5 =	sand.u32 $0x3FFFFE00, s5  }
0x213: {  	s1 =	sor.u32 s1, s5;
	v3 =	vmax.f32 v3, $0.0e+00  }
0x214: {  	[tilespmem:s1+$0x10880] =	vst v3  }
0x215: {  	s0 =	simm.s32 $0x0  }
.LBB2_44:
0x216: {  	s16 =	sshll.u32 s0, $0x4  }
0x217: {  	s15 =	sshrl.u32 s0, $0x3;
	s1 =	sand.u32 $0x70, s16  }
0x218: {  	s5 =	sshll.u32 s15, $0xC;
	v3 =	vmov s1  }
0x219: {  	s6 =	simm.s32 $0x200;
	s5 =	sshra.s32 s5, $0x2  }
0x21a: {  	s8 =	simm.s32 $0x80;
	s6 =	sand.u32 $0x1000, s6;
	s5 =	sadd.s32 $0x4800, s5  }
0x21b: {  	s8 =	sand.u32 $0x380, s8;
	s11 =	sor.u32 s1, s5;
	s6 =	sadd.s32 s6, s5  }
0x21c: {  	v4 =	vld [tilespmem:s11+$0x0];
	s8 =	sadd.s32 s8, s6  }
0x21d: {  	v5 =	vld.idx.msk [tilespmem:v3+s8+$0x0 ss:$0x1], $0xffff  }
0x21e: {  	s6 =	simm.s32 $0x400;
	s8 =	simm.s32 $0x100  }
.LBB2_45:
0x21f: {  	s11 =	sand.u32 $0x1000, s6;
	p0 =	sne.s32 s6, $0x1E00;
	s6 =	sadd.s32 $0x200, s6  }
.Ltmp21:
0x220: {  	s12 =	sand.u32 $0x380, s8;
	s11 =	sadd.s32 s11, s5;
	(pc) =	sbr.rel @p0 .LBB2_45-.Ltmp21, $3  }
0x221: {  	s11 =	sadd.s32 s12, s11  }
0x222: {  	v4 =	vmax.f32 v4, v5;
	v5 =	vld.idx.msk [tilespmem:v3+s11+$0x0 ss:$0x1], $0xffff;
	_ =	sdelay $0x1  }
0x223: {  	s8 =	sadd.s32 $0x80, s8  }
0x224: {  	v3 =	vld [tilespmem:s16+$0x11000];
	_ =	sdelay $0x1  }
0x225: {  	v6 =	vld [tilespmem:s16+$0x11200];
	_ =	sdelay $0x1  }
0x226: {  	s0 =	sadd.s32 $0x1, s0;
	v4 =	vmax.f32 v4, v5  }
0x227: {  	p0 =	sne.s32 s0, $0x20;
	v3 =	vmul.f32 v3, v4  }
.Ltmp22:
0x228: {  	_ = 	snop;
	(pc) =	sbr.rel @p0 .LBB2_44-.Ltmp22, $4  }
0x229: {  	s5 =	sshll.u32 s15, $0x9;
	v3 =	vadd.f32 v6, v3  }
0x22a: {  	s5 =	sand.u32 $0x3FFFFE00, s5  }
0x22b: {  	s1 =	sor.u32 s1, s5;
	v3 =	vmax.f32 v3, $0.0e+00  }
0x22c: {  	[tilespmem:s1+$0x10900] =	vst v3  }
0x22d: {  	s0 =	simm.s32 $0x0  }
.LBB2_48:
0x22e: {  	s16 =	sshll.u32 s0, $0x4  }
0x22f: {  	s15 =	sshrl.u32 s0, $0x3;
	s1 =	sand.u32 $0x70, s16  }
0x230: {  	s5 =	sshll.u32 s15, $0xC;
	v3 =	vmov s1  }
0x231: {  	s6 =	simm.s32 $0x200;
	s5 =	sshra.s32 s5, $0x2  }
0x232: {  	s8 =	simm.s32 $0x80;
	s6 =	sand.u32 $0x1000, s6;
	s5 =	sadd.s32 $0x6800, s5  }
0x233: {  	s8 =	sand.u32 $0x380, s8;
	s11 =	sor.u32 s1, s5;
	s6 =	sadd.s32 s6, s5  }
0x234: {  	v4 =	vld [tilespmem:s11+$0x0];
	s8 =	sadd.s32 s8, s6  }
0x235: {  	v5 =	vld.idx.msk [tilespmem:v3+s8+$0x0 ss:$0x1], $0xffff  }
0x236: {  	s6 =	simm.s32 $0x400;
	s8 =	simm.s32 $0x100  }
.LBB2_49:
0x237: {  	s11 =	sand.u32 $0x1000, s6;
	p0 =	sne.s32 s6, $0x1E00;
	s6 =	sadd.s32 $0x200, s6  }
.Ltmp23:
0x238: {  	s12 =	sand.u32 $0x380, s8;
	s11 =	sadd.s32 s11, s5;
	(pc) =	sbr.rel @p0 .LBB2_49-.Ltmp23, $3  }
0x239: {  	s11 =	sadd.s32 s12, s11  }
0x23a: {  	v4 =	vmax.f32 v4, v5;
	v5 =	vld.idx.msk [tilespmem:v3+s11+$0x0 ss:$0x1], $0xffff;
	_ =	sdelay $0x1  }
0x23b: {  	s8 =	sadd.s32 $0x80, s8  }
0x23c: {  	v3 =	vld [tilespmem:s16+$0x11000];
	_ =	sdelay $0x1  }
0x23d: {  	v6 =	vld [tilespmem:s16+$0x11200];
	_ =	sdelay $0x1  }
0x23e: {  	s0 =	sadd.s32 $0x1, s0;
	v4 =	vmax.f32 v4, v5  }
0x23f: {  	p0 =	sne.s32 s0, $0x20;
	v3 =	vmul.f32 v3, v4  }
.Ltmp24:
0x240: {  	_ = 	snop;
	(pc) =	sbr.rel @p0 .LBB2_48-.Ltmp24, $4  }
0x241: {  	s5 =	sshll.u32 s15, $0x9;
	v3 =	vadd.f32 v6, v3  }
0x242: {  	s5 =	sand.u32 $0x3FFFFE00, s5  }
0x243: {  	s1 =	sor.u32 s1, s5;
	v3 =	vmax.f32 v3, $0.0e+00  }
0x244: {  	[tilespmem:s1+$0x10980] =	vst v3  }
0x245: {  	s0 =	rddreg [dreg:$0x6]  }
0x246: {  	[hbm4b:s0+s24] =	stream.strided.scatter [tilespmem:s26], [sflag:$0x3], $0x800, s25, s24, $0x38;
	[tilespmem:$0x11400] =	vst v63  }
0x247: {  	_ =	swait.ge [sflag:s14], $0x800  }
0x248: {  	[sflag:s14] =	ssyncset.done $0x0  }
0x249: {  	[sflag:s14] =	ssyncadd.s32 $0xFFFFF800  }
0x24a: {  	_ =	swait.ge [sflag:s28], $0x8000  }
0x24b: {  	[sflag:s28] =	ssyncset.done $0x0  }
0x24c: {  	s0 =	simm.s32 $0x0;
	[sflag:s28] =	ssyncadd.s32 $0xFFFF8000  }
.LBB2_52:
0x24d: {  	s16 =	sshll.u32 s0, $0x4  }
0x24e: {  	s15 =	sshrl.u32 s0, $0x3;
	s1 =	sand.u32 $0x70, s16  }
0x24f: {  	s5 =	sshll.u32 s15, $0xC;
	v3 =	vmov s1  }
0x250: {  	s6 =	simm.s32 $0x200;
	s5 =	sshra.s32 s5, $0x2  }
0x251: {  	s8 =	simm.s32 $0x80;
	s6 =	sand.u32 $0x1000, s6;
	s5 =	sadd.s32 $0x8800, s5  }
0x252: {  	s8 =	sand.u32 $0x380, s8;
	s11 =	sor.u32 s1, s5;
	s6 =	sadd.s32 s6, s5  }
0x253: {  	v4 =	vld [tilespmem:s11+$0x0];
	s8 =	sadd.s32 s8, s6  }
0x254: {  	v5 =	vld.idx.msk [tilespmem:v3+s8+$0x0 ss:$0x1], $0xffff  }
0x255: {  	s6 =	simm.s32 $0x400;
	s8 =	simm.s32 $0x100  }
.LBB2_53:
0x256: {  	s11 =	sand.u32 $0x1000, s6;
	p0 =	sne.s32 s6, $0x1E00;
	s6 =	sadd.s32 $0x200, s6  }
.Ltmp25:
0x257: {  	s12 =	sand.u32 $0x380, s8;
	s11 =	sadd.s32 s11, s5;
	(pc) =	sbr.rel @p0 .LBB2_53-.Ltmp25, $3  }
0x258: {  	s11 =	sadd.s32 s12, s11  }
0x259: {  	v4 =	vmax.f32 v4, v5;
	v5 =	vld.idx.msk [tilespmem:v3+s11+$0x0 ss:$0x1], $0xffff;
	_ =	sdelay $0x1  }
0x25a: {  	s8 =	sadd.s32 $0x80, s8  }
0x25b: {  	v3 =	vld [tilespmem:s16+$0x11000];
	_ =	sdelay $0x1  }
0x25c: {  	v6 =	vld [tilespmem:s16+$0x11200];
	_ =	sdelay $0x1  }
0x25d: {  	s0 =	sadd.s32 $0x1, s0;
	v4 =	vmax.f32 v4, v5  }
0x25e: {  	p0 =	sne.s32 s0, $0x20;
	v3 =	vmul.f32 v3, v4  }
.Ltmp26:
0x25f: {  	_ = 	snop;
	(pc) =	sbr.rel @p0 .LBB2_52-.Ltmp26, $4  }
0x260: {  	s5 =	sshll.u32 s15, $0x9;
	v3 =	vadd.f32 v6, v3  }
0x261: {  	s5 =	sand.u32 $0x3FFFFE00, s5  }
0x262: {  	s1 =	sor.u32 s1, s5;
	v3 =	vmax.f32 v3, $0.0e+00  }
0x263: {  	[tilespmem:s1+$0x10800] =	vst v3  }
0x264: {  	s0 =	simm.s32 $0x0  }
.LBB2_56:
0x265: {  	s16 =	sshll.u32 s0, $0x4  }
0x266: {  	s15 =	sshrl.u32 s0, $0x3;
	s1 =	sand.u32 $0x70, s16  }
0x267: {  	s5 =	sshll.u32 s15, $0xC;
	v3 =	vmov s1  }
0x268: {  	s6 =	simm.s32 $0x200;
	s5 =	sshra.s32 s5, $0x2  }
0x269: {  	s8 =	simm.s32 $0x80;
	s6 =	sand.u32 $0x1000, s6;
	s5 =	sadd.s32 $0xA800, s5  }
0x26a: {  	s8 =	sand.u32 $0x380, s8;
	s11 =	sor.u32 s1, s5;
	s6 =	sadd.s32 s6, s5  }
0x26b: {  	v4 =	vld [tilespmem:s11+$0x0];
	s8 =	sadd.s32 s8, s6  }
0x26c: {  	v5 =	vld.idx.msk [tilespmem:v3+s8+$0x0 ss:$0x1], $0xffff  }
0x26d: {  	s6 =	simm.s32 $0x400;
	s8 =	simm.s32 $0x100  }
.LBB2_57:
0x26e: {  	s11 =	sand.u32 $0x1000, s6;
	p0 =	sne.s32 s6, $0x1E00;
	s6 =	sadd.s32 $0x200, s6  }
.Ltmp27:
0x26f: {  	s12 =	sand.u32 $0x380, s8;
	s11 =	sadd.s32 s11, s5;
	(pc) =	sbr.rel @p0 .LBB2_57-.Ltmp27, $3  }
0x270: {  	s11 =	sadd.s32 s12, s11  }
0x271: {  	v4 =	vmax.f32 v4, v5;
	v5 =	vld.idx.msk [tilespmem:v3+s11+$0x0 ss:$0x1], $0xffff;
	_ =	sdelay $0x1  }
0x272: {  	s8 =	sadd.s32 $0x80, s8  }
0x273: {  	v3 =	vld [tilespmem:s16+$0x11000];
	_ =	sdelay $0x1  }
0x274: {  	v6 =	vld [tilespmem:s16+$0x11200];
	_ =	sdelay $0x1  }
0x275: {  	s0 =	sadd.s32 $0x1, s0;
	v4 =	vmax.f32 v4, v5  }
0x276: {  	p0 =	sne.s32 s0, $0x20;
	v3 =	vmul.f32 v3, v4  }
.Ltmp28:
0x277: {  	_ = 	snop;
	(pc) =	sbr.rel @p0 .LBB2_56-.Ltmp28, $4  }
0x278: {  	s5 =	sshll.u32 s15, $0x9;
	v3 =	vadd.f32 v6, v3  }
0x279: {  	s5 =	sand.u32 $0x3FFFFE00, s5  }
0x27a: {  	s1 =	sor.u32 s1, s5;
	v3 =	vmax.f32 v3, $0.0e+00  }
0x27b: {  	[tilespmem:s1+$0x10880] =	vst v3  }
0x27c: {  	s0 =	simm.s32 $0x0  }
.LBB2_60:
0x27d: {  	s16 =	sshll.u32 s0, $0x4  }
0x27e: {  	s15 =	sshrl.u32 s0, $0x3;
	s1 =	sand.u32 $0x70, s16  }
0x27f: {  	s5 =	sshll.u32 s15, $0xC;
	v3 =	vmov s1  }
0x280: {  	s6 =	simm.s32 $0x200;
	s5 =	sshra.s32 s5, $0x2  }
0x281: {  	s8 =	simm.s32 $0x80;
	s6 =	sand.u32 $0x1000, s6;
	s5 =	sadd.s32 $0xC800, s5  }
0x282: {  	s8 =	sand.u32 $0x380, s8;
	s11 =	sor.u32 s1, s5;
	s6 =	sadd.s32 s6, s5  }
0x283: {  	v4 =	vld [tilespmem:s11+$0x0];
	s8 =	sadd.s32 s8, s6  }
0x284: {  	v5 =	vld.idx.msk [tilespmem:v3+s8+$0x0 ss:$0x1], $0xffff  }
0x285: {  	s6 =	simm.s32 $0x400;
	s8 =	simm.s32 $0x100  }
.LBB2_61:
0x286: {  	s11 =	sand.u32 $0x1000, s6;
	p0 =	sne.s32 s6, $0x1E00;
	s6 =	sadd.s32 $0x200, s6  }
.Ltmp29:
0x287: {  	s12 =	sand.u32 $0x380, s8;
	s11 =	sadd.s32 s11, s5;
	(pc) =	sbr.rel @p0 .LBB2_61-.Ltmp29, $3  }
0x288: {  	s11 =	sadd.s32 s12, s11  }
0x289: {  	v4 =	vmax.f32 v4, v5;
	v5 =	vld.idx.msk [tilespmem:v3+s11+$0x0 ss:$0x1], $0xffff;
	_ =	sdelay $0x1  }
0x28a: {  	s8 =	sadd.s32 $0x80, s8  }
0x28b: {  	v3 =	vld [tilespmem:s16+$0x11000];
	_ =	sdelay $0x1  }
0x28c: {  	v6 =	vld [tilespmem:s16+$0x11200];
	_ =	sdelay $0x1  }
0x28d: {  	s0 =	sadd.s32 $0x1, s0;
	v4 =	vmax.f32 v4, v5  }
0x28e: {  	p0 =	sne.s32 s0, $0x20;
	v3 =	vmul.f32 v3, v4  }
.Ltmp30:
0x28f: {  	_ = 	snop;
	(pc) =	sbr.rel @p0 .LBB2_60-.Ltmp30, $4  }
0x290: {  	s5 =	sshll.u32 s15, $0x9;
	v3 =	vadd.f32 v6, v3  }
0x291: {  	s5 =	sand.u32 $0x3FFFFE00, s5  }
0x292: {  	s1 =	sor.u32 s1, s5;
	v3 =	vmax.f32 v3, $0.0e+00  }
0x293: {  	[tilespmem:s1+$0x10900] =	vst v3  }
0x294: {  	s0 =	simm.s32 $0x0  }
.LBB2_64:
0x295: {  	s16 =	sshll.u32 s0, $0x4  }
0x296: {  	s15 =	sshrl.u32 s0, $0x3;
	s1 =	sand.u32 $0x70, s16  }
0x297: {  	s5 =	sshll.u32 s15, $0xC;
	v3 =	vmov s1  }
0x298: {  	s6 =	simm.s32 $0x200;
	s5 =	sshra.s32 s5, $0x2  }
0x299: {  	s8 =	simm.s32 $0x80;
	s6 =	sand.u32 $0x1000, s6;
	s5 =	sadd.s32 $0xE800, s5  }
0x29a: {  	s8 =	sand.u32 $0x380, s8;
	s11 =	sor.u32 s1, s5;
	s6 =	sadd.s32 s6, s5  }
0x29b: {  	v4 =	vld [tilespmem:s11+$0x0];
	s8 =	sadd.s32 s8, s6  }
0x29c: {  	v5 =	vld.idx.msk [tilespmem:v3+s8+$0x0 ss:$0x1], $0xffff  }
0x29d: {  	s6 =	simm.s32 $0x400;
	s8 =	simm.s32 $0x100  }
.LBB2_65:
0x29e: {  	s11 =	sand.u32 $0x1000, s6;
	p0 =	sne.s32 s6, $0x1E00;
	s6 =	sadd.s32 $0x200, s6  }
.Ltmp31:
0x29f: {  	s12 =	sand.u32 $0x380, s8;
	s11 =	sadd.s32 s11, s5;
	(pc) =	sbr.rel @p0 .LBB2_65-.Ltmp31, $3  }
0x2a0: {  	s11 =	sadd.s32 s12, s11  }
0x2a1: {  	v4 =	vmax.f32 v4, v5;
	v5 =	vld.idx.msk [tilespmem:v3+s11+$0x0 ss:$0x1], $0xffff;
	_ =	sdelay $0x1  }
0x2a2: {  	s8 =	sadd.s32 $0x80, s8  }
0x2a3: {  	v3 =	vld [tilespmem:s16+$0x11000];
	_ =	sdelay $0x1  }
0x2a4: {  	v6 =	vld [tilespmem:s16+$0x11200];
	_ =	sdelay $0x1  }
0x2a5: {  	s0 =	sadd.s32 $0x1, s0;
	v4 =	vmax.f32 v4, v5  }
0x2a6: {  	p0 =	sne.s32 s0, $0x20;
	v3 =	vmul.f32 v3, v4  }
.Ltmp32:
0x2a7: {  	_ = 	snop;
	(pc) =	sbr.rel @p0 .LBB2_64-.Ltmp32, $4  }
0x2a8: {  	s5 =	sshll.u32 s15, $0x9;
	v3 =	vadd.f32 v6, v3  }
0x2a9: {  	s5 =	sand.u32 $0x3FFFFE00, s5  }
0x2aa: {  	s1 =	sor.u32 s1, s5;
	v3 =	vmax.f32 v3, $0.0e+00  }
0x2ab: {  	[tilespmem:s1+$0x10980] =	vst v3  }
0x2ac: {  	s0 =	rddreg [dreg:$0x7]  }
0x2ad: {  	[hbm4b:s0+s24] =	stream.strided.scatter [tilespmem:s26], [sflag:$0x3], $0x800, s25, s24, $0x38;
	[tilespmem:$0x11400] =	vst v63  }
0x2ae: {  	_ =	swait.ge [sflag:s14], $0x800  }
0x2af: {  	s1 =	rddreg [dreg:$0x9]  }
0x2b0: {  	s31 =	rddreg [dreg:$0x8];
	s1 =	sadd.s32 $0x1, s1  }
0x2b1: {  	p0 =	sne.s32 s1, s31  }
.Ltmp33:
0x2b2: {  	_ = 	snop;
	(pc) =	sbr.rel @p0 .LBB2_1-.Ltmp33, $3  }
0x2b3: {  	_ =	sdelay $0x1  }
0x2b4: {  	[sflag:s14] =	ssyncset.done $0x0  }
0x2b5: {  	[sflag:s14] =	ssyncadd.s32 $0xFFFFF800  }
0x2b6: {  	_ =	sfence.sel $0x180000  }
0x2b7: {  	[bflag:$0x0] =	sbarrier.arrive $0xFFFF  }
0x2b8: {  	_ =	strace $0x9000004A  }
0x2b9: {  	s0 =	stileid.u32;
	[bflag:$0x2] =	sbarrier.arrive $0xFFFF  }
0x2ba: {  	p0 =	sne.s32 s0, $0x0;
	s0 =	rddreg [dreg:$0x2]  }
0x2bb: {  	s0 =	sadd.s32 @!p0 $0x100000, s0  }
0x2bc: {  	[sflag:s0] =	ssyncadd.tile.s32 @!p0 $0x1;
	_ =	shalt  }
.Lfunc_end2:
_tile_overlayer_lowered:
.L_overlay_start_2:
0x2bd: {  	(tag) =	ssettag $0x2  }
0x2be: {  	s0 =	rddreg [dreg:$0x0];
	s2 =	stileid.u32  }
0x2bf: {  	s1 =	rddreg [dreg:$0x1];
	p0 =	sne.s32 s2, $0x0  }
0x2c0: {  	s3 =	rddreg [dreg:$0x2];
	[bflag:$0x3] =	sbarrier.arrive $0xFFFF;
	s2 =	simm.s32 @!p0 $0x1C03  }
0x2c1: {  	[timem:s3], [sflag:s2] =	dma.local @!p0 [hbm:s0], s1  }
0x2c2: {  	s0 =	simm.s32 @!p0 $0x3  }
0x2c3: {  	_ =	swait.ge @!p0 [sflag:s0], s1  }
0x2c4: {  	s1 =	ssub.s32 @!p0 $0x0, s1;
	[sflag:s0] =	ssyncset.done @!p0 $0x0  }
0x2c5: {  	[sflag:s0] =	ssyncadd.s32 @!p0 s1  }
0x2c6: {  	[bflag:$0x3] =	sbarrier.arrive $0xFFFF  }
0x2c7: {  	_ =	shalt  }

</sc_bundles>
